<compile_context>
chip_gen: v7x
topology: tpu7x:2x2x1
jax: 0.10.2.dev20260603
libtpu: 0.0.44.dev20260713+nightly
codegen_flags: <defaults>
</compile_context>

<pallas_src>
import functools

import jax
import jax.numpy as jnp
from jax import lax
from jax.experimental import pallas as pl
from jax.experimental.pallas import tpu as pltpu
from jax.experimental.pallas import tpu_sc as plsc

_N = 10000
_E = 320000
_F = 128
_NC = 2
_NS = 16
_NW = _NC * _NS
_EPW = _E // _NW
_B = 80
_CH = _EPW // _B
_G = 25
_NG = _CH // _G
_RPT = _N // _NS

_mesh = plsc.VectorSubcoreMesh(core_axis_name="c", subcore_axis_name="s")


def _sc_edge_aggregate(y, src_r, dst_r, zrows):

    @functools.partial(
        pl.kernel,
        out_type=jax.ShapeDtypeStruct((_NC, _NS, _RPT, _F), jnp.float32),
        mesh=_mesh,
        scratch_types=[
            pltpu.VMEM_SHARED((_N, _F), jnp.float32),
            pltpu.VMEM((_G, _B), jnp.int32),
            pltpu.VMEM((_G, _B), jnp.int32),
            pltpu.VMEM((_B, _F), jnp.float32),
            pltpu.VMEM((_B, _F), jnp.float32),
            pltpu.SemaphoreType.DMA,
            pltpu.SemaphoreType.DMA,
        ],
    )
    def k(y_hbm, src_hbm, dst_hbm, z_hbm, out_hbm, acc, src_v, dst_v,
          buf0, buf1, sem0, sem1):
        c = lax.axis_index("c")
        s = lax.axis_index("s")
        wid = s * _NC + c
        pltpu.sync_copy(z_hbm, acc.at[pl.ds(s * _RPT, _RPT)])
        plsc.subcore_barrier()

        def group(g, carry):
            pltpu.sync_copy(src_hbm.at[wid * _NG + g], src_v)
            pltpu.sync_copy(dst_hbm.at[wid * _NG + g], dst_v)

            def gather(j, buf, sem):
                return pltpu.make_async_copy(y_hbm.at[src_v.at[j]], buf, sem)

            def scat(j, buf):
                pltpu.sync_copy(buf, acc.at[dst_v.at[j]], add=True)

            def body(j, c2):
                gather(j, buf0, sem0).start()
                gather(j, buf0, sem0).wait()
                scat(j, buf0)
                return c2

            lax.fori_loop(0, _G, body, 0)
            return carry

        lax.fori_loop(0, _NG, group, 0)
        plsc.subcore_barrier()
        pltpu.sync_copy(acc.at[pl.ds(s * _RPT, _RPT)], out_hbm.at[c, s])

    return k(y, src_r, dst_r, zrows).reshape(_NC, _N, _F)


def _sc_degree_cnt(ones80, dst_r, zrows):

    @functools.partial(
        pl.kernel,
        out_type=jax.ShapeDtypeStruct((_NC, _NS, _RPT, _F), jnp.float32),
        mesh=_mesh,
        scratch_types=[
            pltpu.VMEM_SHARED((_N, _F), jnp.float32),
            pltpu.VMEM((_G, _B), jnp.int32),
            pltpu.VMEM((_B, _F), jnp.float32),
        ],
    )
    def k(ones_hbm, dst_hbm, z_hbm, out_hbm, acc, dst_v, buf):
        c = lax.axis_index("c")
        s = lax.axis_index("s")
        wid = s * _NC + c
        pltpu.sync_copy(z_hbm, acc.at[pl.ds(s * _RPT, _RPT)])
        pltpu.sync_copy(ones_hbm, buf)
        plsc.subcore_barrier()

        def group(g, carry):
            pltpu.sync_copy(dst_hbm.at[wid * _NG + g], dst_v)

            def body(j, c2):
                pltpu.sync_copy(buf, acc.at[dst_v.at[j]], add=True)
                return c2

            lax.fori_loop(0, _G, body, 0)
            return carry

        lax.fori_loop(0, _NG, group, 0)
        plsc.subcore_barrier()
        pltpu.sync_copy(acc.at[pl.ds(s * _RPT, _RPT)], out_hbm.at[c, s])

    return k(ones80, dst_r, zrows).reshape(_NC, _N, _F)


def _dinv_block(deg):
    return lax.rsqrt(deg)


_GRID = 10
_BR = _N // _GRID


def _tc_first(x, W1, deg):

    def body(x_ref, w_ref, deg_ref, y_ref):
        dinv = _dinv_block(deg_ref[...])
        y_ref[...] = jnp.dot(x_ref[...], w_ref[...],
                             preferred_element_type=jnp.float32) * dinv

    return pl.pallas_call(
        body,
        grid=(_GRID,),
        in_specs=[
            pl.BlockSpec((_BR, _F), lambda i: (i, 0)),
            pl.BlockSpec((_F, _F), lambda i: (0, 0)),
            pl.BlockSpec((_BR, 1), lambda i: (i, 0)),
        ],
        out_specs=pl.BlockSpec((_BR, _F), lambda i: (i, 0)),
        out_shape=jax.ShapeDtypeStruct((_N, _F), jnp.float32),
    )(x, W1, deg)


def _tc_mid(agga, aggb, y1, deg, W2, b1):

    def body(aa_ref, ab_ref, y1_ref, deg_ref, w_ref, b_ref, y2_ref):
        dinv = _dinv_block(deg_ref[...])
        h1 = jax.nn.sigmoid(
            (aa_ref[...] + ab_ref[...] + y1_ref[...]) * dinv + b_ref[...])
        y2_ref[...] = jnp.dot(h1, w_ref[...],
                              preferred_element_type=jnp.float32) * dinv

    return pl.pallas_call(
        body,
        grid=(_GRID,),
        in_specs=[
            pl.BlockSpec((_BR, _F), lambda i: (i, 0)),
            pl.BlockSpec((_BR, _F), lambda i: (i, 0)),
            pl.BlockSpec((_BR, _F), lambda i: (i, 0)),
            pl.BlockSpec((_BR, 1), lambda i: (i, 0)),
            pl.BlockSpec((_F, _F), lambda i: (0, 0)),
            pl.BlockSpec((1, _F), lambda i: (0, 0)),
        ],
        out_specs=pl.BlockSpec((_BR, _F), lambda i: (i, 0)),
        out_shape=jax.ShapeDtypeStruct((_N, _F), jnp.float32),
    )(agga, aggb, y1, deg, W2, b1)


def _tc_last(agga, aggb, y2, deg, b2, batch_r,
             Wil, bil, Whl1, bhl1, Wol, bol):

    def body(aa_ref, ab_ref, y2_ref, deg_ref, b2_ref, batch_ref,
             wil_ref, bil_ref, whl_ref, bhl_ref, wol_ref, bol_ref, out_ref):
        dinv = _dinv_block(deg_ref[...])
        h2 = jax.nn.relu(
            (aa_ref[...] + ab_ref[...] + y2_ref[...]) * dinv + b2_ref[...])
        gid = lax.broadcasted_iota(jnp.int32, (64, _N), 0)
        m = (batch_ref[...] == gid).astype(jnp.float32)
        sums = jnp.dot(m, h2, preferred_element_type=jnp.float32)
        cnts = jnp.sum(m, axis=1, keepdims=True)
        pooled = sums / jnp.maximum(cnts, 1.0)
        o = jax.nn.sigmoid(jnp.dot(pooled, wil_ref[...],
                                   preferred_element_type=jnp.float32)
                           + bil_ref[...])
        o = jax.nn.relu(jnp.dot(o, whl_ref[...],
                                preferred_element_type=jnp.float32)
                        + bhl_ref[...])
        out_ref[...] = (jnp.dot(o, wol_ref[...],
                                preferred_element_type=jnp.float32)
                        + bol_ref[...])

    return pl.pallas_call(
        body,
        out_shape=jax.ShapeDtypeStruct((64, 1), jnp.float32),
    )(agga, aggb, y2, deg, b2, batch_r, Wil, bil, Whl1, bhl1, Wol, bol)


def kernel(x, edge_index, batch, W1, b1, W2, b2, Wil, bil, Whl1, bhl1, Wol, bol):
    src_r = edge_index[0].reshape(_NW * _NG, _G, _B)
    dst_r = edge_index[1].reshape(_NW * _NG, _G, _B)
    z128 = jnp.zeros((_RPT, _F), jnp.float32)

    ones80 = jnp.ones((_B, _F), jnp.float32)
    cnt = _sc_degree_cnt(ones80, dst_r, z128)
    deg = (cnt[0, :, :1] + cnt[1, :, :1] + 1.0)
    y1 = _tc_first(x, W1, deg)
    agg1 = _sc_edge_aggregate(y1, src_r, dst_r, z128)
    y2 = _tc_mid(agg1[0], agg1[1], y1, deg, W2, b1.reshape(1, _F))
    agg2 = _sc_edge_aggregate(y2, src_r, dst_r, z128)
    return _tc_last(agg2[0], agg2[1], y2, deg, b2.reshape(1, _F),
                    batch.reshape(1, _N).astype(jnp.int32),
                    Wil, bil.reshape(1, 64), Whl1, bhl1.reshape(1, 16),
                    Wol, bol.reshape(1, 1))

# --- scband reference (transcript-rebuilt; emitter-appended) ---
"""Pipeline reference for scband-gcn-56341380989304 (READ-ONLY COPY).

The authoritative reference and input builder live on the scoring server;
editing this copy changes nothing except your own understanding.
"""

import jax, jax.numpy as jnp
import numpy as np

N = 10000
E = 320000
F = 128
H = 128
G = 64


def _gcn_conv(x, src, dst, W, b, num_nodes):
    # add self-loops (PyG GCNConv default add_self_loops=True)
    loop = jnp.arange(num_nodes, dtype=src.dtype)
    src_f = jnp.concatenate([src, loop])
    dst_f = jnp.concatenate([dst, loop])
    xw = x @ W
    deg = jnp.zeros((num_nodes,), dtype=x.dtype).at[dst_f].add(1.0)
    dinv = jnp.where(deg > 0, deg ** -0.5, 0.0)
    norm = dinv[src_f] * dinv[dst_f]
    msg = xw[src_f] * norm[:, None]
    out = jnp.zeros_like(xw).at[dst_f].add(msg)
    return out + b


def setup_inputs(seed: int = 0) -> dict:
    key = jax.random.key(seed)
    ks = jax.random.split(key, 16)
    x = jax.random.normal(ks[0], (N, F), dtype=jnp.float32)
    edge_index = jax.random.randint(ks[1], (2, E), 0, N, dtype=jnp.int32)
    batch = jnp.sort(jax.random.randint(ks[2], (N,), 0, G, dtype=jnp.int32))
    def glorot(k, fan_in, fan_out):
        s = (6.0 / (fan_in + fan_out)) ** 0.5
        return jax.random.uniform(k, (fan_in, fan_out), jnp.float32, -s, s)
    W1 = glorot(ks[3], F, H)
    b1 = jnp.zeros((H,), jnp.float32)
    W2 = glorot(ks[4], H, H)
    b2 = jnp.zeros((H,), jnp.float32)
    Wil = glorot(ks[5], H, 64)
    bil = jnp.zeros((64,), jnp.float32)
    Whl1 = glorot(ks[6], 64, 16)
    bhl1 = jnp.zeros((16,), jnp.float32)
    Wol = glorot(ks[7], 16, 1)
    bol = jnp.zeros((1,), jnp.float32)
    return {"x": x, "edge_index": edge_index, "batch": batch,
            "W1": W1, "b1": b1, "W2": W2, "b2": b2,
            "Wil": Wil, "bil": bil, "Whl1": Whl1, "bhl1": bhl1,
            "Wol": Wol, "bol": bol}


def reference(x, edge_index, batch, W1, b1, W2, b2, Wil, bil, Whl1, bhl1, Wol, bol):
    src, dst = edge_index[0], edge_index[1]
    h = _gcn_conv(x, src, dst, W1, b1, N)
    h = jax.nn.sigmoid(h)
    h = _gcn_conv(h, src, dst, W2, b2, N)
    h = jax.nn.relu(h)
    # global mean pool over graph ids
    sums = jax.ops.segment_sum(h, batch, num_segments=G)
    cnts = jax.ops.segment_sum(jnp.ones((h.shape[0], 1), h.dtype), batch, num_segments=G)
    pooled = sums / jnp.maximum(cnts, 1.0)
    out = jax.nn.sigmoid(pooled @ Wil + bil)
    out = jax.nn.relu(out @ Whl1 + bhl1)
    out = out @ Wol + bol
    return out

if __name__ == "__main__":
    import jax
    _d = setup_inputs()
    print(jax.jit(kernel)(*tuple(_d.values())))

</pallas_src>

<mosaic_0001>
#map = affine_map<(d0, d1) -> (0, 0)>
#map1 = affine_map<(d0, d1) -> (0, 0, 0)>
#map2 = affine_map<(d0, d1) -> (0, 0, 0, 0)>
module attributes {stable_mosaic.version = 14 : i64} {
  func.func @k(%arg0: i32, %arg1: i32, %arg2: memref<10000x128xf32, #tpu.memory_space<hbm>>, %arg3: memref<160x25x80xi32, #tpu.memory_space<hbm>>, %arg4: memref<160x25x80xi32, #tpu.memory_space<hbm>>, %arg5: memref<625x128xf32, #tpu.memory_space<hbm>>, %arg6: memref<2x16x625x128xf32, #tpu.memory_space<hbm>>, %arg7: memref<10000x128xf32, #tpu.memory_space<vmem_shared>>, %arg8: memref<25x80xi32, #tpu.memory_space<vmem>>, %arg9: memref<25x80xi32, #tpu.memory_space<vmem>>, %arg10: memref<80x128xf32, #tpu.memory_space<vmem>>, %arg11: memref<80x128xf32, #tpu.memory_space<vmem>>, %arg12: memref<!tpu.dma_semaphore, #tpu.memory_space<semaphore_mem>>, %arg13: memref<!tpu.dma_semaphore, #tpu.memory_space<semaphore_mem>>) attributes {dimension_semantics = [#tpu.dimension_semantics<core_parallel>, #tpu.dimension_semantics<subcore_parallel>], iteration_bounds = array<i64: 2, 16>, scalar_prefetch = 0 : i64, scratch_operands = 7 : i64, tpu.core_type = #tpu.core_type<sc_vector_subcore>, window_params = [{transform_indices = #map}, {transform_indices = #map1}, {transform_indices = #map1}, {transform_indices = #map}, {transform_indices = #map2}]} {
    %mul3A = arith.constant 2 : i32
    %mul3A_0 = arith.muli %arg1, %mul3A : i32
    %add3A = arith.addi %mul3A_0, %arg0 : i32
    %mul3A_1 = arith.constant 625 : i32
    %mul3A_2 = arith.muli %arg1, %mul3A_1 : i32
    "tpu.region"() ({
      %run_scoped3A = tpu.sem_alloc : memref<!tpu.dma_semaphore, #tpu.memory_space<semaphore_mem>>
      %dma_start3A = arith.constant 0 : i32
      %dma_start3A_11 = tpu.memref_slice %arg7[%mul3A_2, %dma_start3A] : memref<10000x128xf32, #tpu.memory_space<vmem_shared>> -> memref<625x128xf32, #tpu.memory_space<vmem_shared>>
      tpu.enqueue_dma source(%arg5 : memref<625x128xf32, #tpu.memory_space<hbm>>) target(%dma_start3A_11 : memref<625x128xf32, #tpu.memory_space<vmem_shared>>) target_semaphore(%run_scoped3A : memref<!tpu.dma_semaphore, #tpu.memory_space<semaphore_mem>>)
      %dma_wait3A = arith.constant 0 : i32
      %dma_wait3A_12 = tpu.memref_slice %arg7[%mul3A_2, %dma_wait3A] : memref<10000x128xf32, #tpu.memory_space<vmem_shared>> -> memref<625x128xf32, #tpu.memory_space<vmem_shared>>
      tpu.wait_dma2 semaphore(%run_scoped3A : memref<!tpu.dma_semaphore, #tpu.memory_space<semaphore_mem>>) src(%arg5 : memref<625x128xf32, #tpu.memory_space<hbm>>) dst(%dma_wait3A_12 : memref<625x128xf32, #tpu.memory_space<vmem_shared>>)
      tpu.yield
    }) : () -> ()
    %barrier3A = arith.constant 0 : index
    tpu.barrier barrier_id(%barrier3A)
    %scan3A = arith.constant 0 : i32
    %scan3A_3 = arith.constant 0 : i32
    %scan3A_4 = arith.constant 5 : i32
    %scan3A_5 = arith.addi %scan3A_3, %scan3A_4 : i32
    %scan3A_6 = arith.constant 1 : i32
    scf.for %scan3A_11 = %scan3A_3 to %scan3A_5 step %scan3A_6  : i32 {
      %mul3A_12 = arith.constant 5 : i32
      %mul3A_13 = arith.muli %add3A, %mul3A_12 : i32
      %add3A_14 = arith.addi %mul3A_13, %scan3A_11 : i32
      "tpu.region"() ({
        %run_scoped3A = tpu.sem_alloc : memref<!tpu.dma_semaphore, #tpu.memory_space<semaphore_mem>>
        %dma_start3A = arith.constant 0 : i32
        %dma_start3A_24 = arith.constant 0 : i32
        %dma_start3A_25 = tpu.memref_slice %arg3[%add3A_14, %dma_start3A, %dma_start3A_24] : memref<160x25x80xi32, #tpu.memory_space<hbm>> -> memref<1x25x80xi32, #tpu.memory_space<hbm>>
        %dma_start3A_26 = tpu.memref_squeeze %dma_start3A_25 : memref<1x25x80xi32, #tpu.memory_space<hbm>> -> memref<25x80xi32, #tpu.memory_space<hbm>>
        %dma_start3A_27 = arith.constant 0 : i32
        %dma_start3A_28 = arith.constant 0 : i32
        %dma_start3A_29 = tpu.memref_slice %arg3[%add3A_14, %dma_start3A_27, %dma_start3A_28] : memref<160x25x80xi32, #tpu.memory_space<hbm>> -> memref<1x25x80xi32, #tpu.memory_space<hbm>>
        %dma_start3A_30 = tpu.memref_squeeze %dma_start3A_29 : memref<1x25x80xi32, #tpu.memory_space<hbm>> -> memref<25x80xi32, #tpu.memory_space<hbm>>
        tpu.enqueue_dma source(%dma_start3A_30 : memref<25x80xi32, #tpu.memory_space<hbm>>) target(%arg8 : memref<25x80xi32, #tpu.memory_space<vmem>>) target_semaphore(%run_scoped3A : memref<!tpu.dma_semaphore, #tpu.memory_space<semaphore_mem>>)
        %dma_wait3A = arith.constant 0 : i32
        %dma_wait3A_31 = arith.constant 0 : i32
        %dma_wait3A_32 = tpu.memref_slice %arg3[%add3A_14, %dma_wait3A, %dma_wait3A_31] : memref<160x25x80xi32, #tpu.memory_space<hbm>> -> memref<1x25x80xi32, #tpu.memory_space<hbm>>
        %dma_wait3A_33 = tpu.memref_squeeze %dma_wait3A_32 : memref<1x25x80xi32, #tpu.memory_space<hbm>> -> memref<25x80xi32, #tpu.memory_space<hbm>>
        %dma_wait3A_34 = arith.constant 0 : i32
        %dma_wait3A_35 = arith.constant 0 : i32
        %dma_wait3A_36 = tpu.memref_slice %arg3[%add3A_14, %dma_wait3A_34, %dma_wait3A_35] : memref<160x25x80xi32, #tpu.memory_space<hbm>> -> memref<1x25x80xi32, #tpu.memory_space<hbm>>
        %dma_wait3A_37 = tpu.memref_squeeze %dma_wait3A_36 : memref<1x25x80xi32, #tpu.memory_space<hbm>> -> memref<25x80xi32, #tpu.memory_space<hbm>>
        tpu.wait_dma2 semaphore(%run_scoped3A : memref<!tpu.dma_semaphore, #tpu.memory_space<semaphore_mem>>) src(%dma_wait3A_37 : memref<25x80xi32, #tpu.memory_space<hbm>>) dst(%arg8 : memref<25x80xi32, #tpu.memory_space<vmem>>)
        tpu.yield
      }) : () -> ()
      %mul3A_15 = arith.constant 5 : i32
      %mul3A_16 = arith.muli %add3A, %mul3A_15 : i32
      %add3A_17 = arith.addi %mul3A_16, %scan3A_11 : i32
      "tpu.region"() ({
        %run_scoped3A = tpu.sem_alloc : memref<!tpu.dma_semaphore, #tpu.memory_space<semaphore_mem>>
        %dma_start3A = arith.constant 0 : i32
        %dma_start3A_24 = arith.constant 0 : i32
        %dma_start3A_25 = tpu.memref_slice %arg4[%add3A_17, %dma_start3A, %dma_start3A_24] : memref<160x25x80xi32, #tpu.memory_space<hbm>> -> memref<1x25x80xi32, #tpu.memory_space<hbm>>
        %dma_start3A_26 = tpu.memref_squeeze %dma_start3A_25 : memref<1x25x80xi32, #tpu.memory_space<hbm>> -> memref<25x80xi32, #tpu.memory_space<hbm>>
        %dma_start3A_27 = arith.constant 0 : i32
        %dma_start3A_28 = arith.constant 0 : i32
        %dma_start3A_29 = tpu.memref_slice %arg4[%add3A_17, %dma_start3A_27, %dma_start3A_28] : memref<160x25x80xi32, #tpu.memory_space<hbm>> -> memref<1x25x80xi32, #tpu.memory_space<hbm>>
        %dma_start3A_30 = tpu.memref_squeeze %dma_start3A_29 : memref<1x25x80xi32, #tpu.memory_space<hbm>> -> memref<25x80xi32, #tpu.memory_space<hbm>>
        tpu.enqueue_dma source(%dma_start3A_30 : memref<25x80xi32, #tpu.memory_space<hbm>>) target(%arg9 : memref<25x80xi32, #tpu.memory_space<vmem>>) target_semaphore(%run_scoped3A : memref<!tpu.dma_semaphore, #tpu.memory_space<semaphore_mem>>)
        %dma_wait3A = arith.constant 0 : i32
        %dma_wait3A_31 = arith.constant 0 : i32
        %dma_wait3A_32 = tpu.memref_slice %arg4[%add3A_17, %dma_wait3A, %dma_wait3A_31] : memref<160x25x80xi32, #tpu.memory_space<hbm>> -> memref<1x25x80xi32, #tpu.memory_space<hbm>>
        %dma_wait3A_33 = tpu.memref_squeeze %dma_wait3A_32 : memref<1x25x80xi32, #tpu.memory_space<hbm>> -> memref<25x80xi32, #tpu.memory_space<hbm>>
        %dma_wait3A_34 = arith.constant 0 : i32
        %dma_wait3A_35 = arith.constant 0 : i32
        %dma_wait3A_36 = tpu.memref_slice %arg4[%add3A_17, %dma_wait3A_34, %dma_wait3A_35] : memref<160x25x80xi32, #tpu.memory_space<hbm>> -> memref<1x25x80xi32, #tpu.memory_space<hbm>>
        %dma_wait3A_37 = tpu.memref_squeeze %dma_wait3A_36 : memref<1x25x80xi32, #tpu.memory_space<hbm>> -> memref<25x80xi32, #tpu.memory_space<hbm>>
        tpu.wait_dma2 semaphore(%run_scoped3A : memref<!tpu.dma_semaphore, #tpu.memory_space<semaphore_mem>>) src(%dma_wait3A_37 : memref<25x80xi32, #tpu.memory_space<hbm>>) dst(%arg9 : memref<25x80xi32, #tpu.memory_space<vmem>>)
        tpu.yield
      }) : () -> ()
      %scan3A_18 = arith.constant 0 : i32
      %scan3A_19 = arith.constant 0 : i32
      %scan3A_20 = arith.constant 25 : i32
      %scan3A_21 = arith.addi %scan3A_19, %scan3A_20 : i32
      %scan3A_22 = arith.constant 1 : i32
      scf.for %scan3A_24 = %scan3A_19 to %scan3A_21 step %scan3A_22  : i32 {
        %dma_start3A = arith.constant 0 : i32
        %dma_start3A_25 = tpu.memref_slice %arg8[%scan3A_24, %dma_start3A] : memref<25x80xi32, #tpu.memory_space<vmem>> -> memref<1x80xi32, #tpu.memory_space<vmem>>
        %dma_start3A_26 = tpu.memref_squeeze %dma_start3A_25 : memref<1x80xi32, #tpu.memory_space<vmem>> -> memref<80xi32, #tpu.memory_space<vmem>>
        %dma_start3A_27 = arith.constant 0 : i32
        %dma_start3A_28 = arith.constant 0 : i32
        %dma_start3A_29 = tpu.memref_slice %arg2[%dma_start3A_27, %dma_start3A_28] : memref<10000x128xf32, #tpu.memory_space<hbm>> -> memref<10000x128xf32, #tpu.memory_space<hbm>>
        tpu.enqueue_indirect_dma source(%dma_start3A_29 : memref<10000x128xf32, #tpu.memory_space<hbm>>) target(%arg10 : memref<80x128xf32, #tpu.memory_space<vmem>>) offsets(%dma_start3A_26 : memref<80xi32, #tpu.memory_space<vmem>>) semaphore(%arg12 : memref<!tpu.dma_semaphore, #tpu.memory_space<semaphore_mem>>)
        %dma_wait3A = arith.constant 0 : i32
        %dma_wait3A_30 = tpu.memref_slice %arg8[%scan3A_24, %dma_wait3A] : memref<25x80xi32, #tpu.memory_space<vmem>> -> memref<1x80xi32, #tpu.memory_space<vmem>>
        %dma_wait3A_31 = tpu.memref_squeeze %dma_wait3A_30 : memref<1x80xi32, #tpu.memory_space<vmem>> -> memref<80xi32, #tpu.memory_space<vmem>>
        %dma_wait3A_32 = arith.constant 0 : i32
        %dma_wait3A_33 = arith.constant 0 : i32
        %dma_wait3A_34 = tpu.memref_slice %arg2[%dma_wait3A_32, %dma_wait3A_33] : memref<10000x128xf32, #tpu.memory_space<hbm>> -> memref<10000x128xf32, #tpu.memory_space<hbm>>
        tpu.wait_indirect_dma semaphore(%arg12 : memref<!tpu.dma_semaphore, #tpu.memory_space<semaphore_mem>>) src(%dma_wait3A_34 : memref<10000x128xf32, #tpu.memory_space<hbm>>) dst(%arg10 : memref<80x128xf32, #tpu.memory_space<vmem>>)
        "tpu.region"() ({
          %run_scoped3A = tpu.sem_alloc : memref<!tpu.dma_semaphore, #tpu.memory_space<semaphore_mem>>
          %dma_start3A_35 = arith.constant 0 : i32
          %dma_start3A_36 = tpu.memref_slice %arg9[%scan3A_24, %dma_start3A_35] : memref<25x80xi32, #tpu.memory_space<vmem>> -> memref<1x80xi32, #tpu.memory_space<vmem>>
          %dma_start3A_37 = tpu.memref_squeeze %dma_start3A_36 : memref<1x80xi32, #tpu.memory_space<vmem>> -> memref<80xi32, #tpu.memory_space<vmem>>
          %dma_start3A_38 = arith.constant 0 : i32
          %dma_start3A_39 = arith.constant 0 : i32
          %dma_start3A_40 = tpu.memref_slice %arg7[%dma_start3A_38, %dma_start3A_39] : memref<10000x128xf32, #tpu.memory_space<vmem_shared>> -> memref<10000x128xf32, #tpu.memory_space<vmem_shared>>
          tpu.enqueue_indirect_dma source(%arg10 : memref<80x128xf32, #tpu.memory_space<vmem>>) target(%dma_start3A_40 : memref<10000x128xf32, #tpu.memory_space<vmem_shared>>) offsets(%dma_start3A_37 : memref<80xi32, #tpu.memory_space<vmem>>) semaphore(%run_scoped3A : memref<!tpu.dma_semaphore, #tpu.memory_space<semaphore_mem>>) {add = true}
          %dma_wait3A_41 = arith.constant 0 : i32
          %dma_wait3A_42 = tpu.memref_slice %arg9[%scan3A_24, %dma_wait3A_41] : memref<25x80xi32, #tpu.memory_space<vmem>> -> memref<1x80xi32, #tpu.memory_space<vmem>>
          %dma_wait3A_43 = tpu.memref_squeeze %dma_wait3A_42 : memref<1x80xi32, #tpu.memory_space<vmem>> -> memref<80xi32, #tpu.memory_space<vmem>>
          %dma_wait3A_44 = arith.constant 0 : i32
          %dma_wait3A_45 = arith.constant 0 : i32
          %dma_wait3A_46 = tpu.memref_slice %arg7[%dma_wait3A_44, %dma_wait3A_45] : memref<10000x128xf32, #tpu.memory_space<vmem_shared>> -> memref<10000x128xf32, #tpu.memory_space<vmem_shared>>
          tpu.wait_indirect_dma semaphore(%run_scoped3A : memref<!tpu.dma_semaphore, #tpu.memory_space<semaphore_mem>>) src(%arg10 : memref<80x128xf32, #tpu.memory_space<vmem>>) dst(%dma_wait3A_46 : memref<10000x128xf32, #tpu.memory_space<vmem_shared>>)
          tpu.yield
        }) : () -> ()
      }
      %scan3A_23 = arith.constant 25 : i32
    }
    %scan3A_7 = arith.constant 5 : i32
    %barrier3A_8 = arith.constant 0 : index
    tpu.barrier barrier_id(%barrier3A_8)
    %mul3A_9 = arith.constant 625 : i32
    %mul3A_10 = arith.muli %arg1, %mul3A_9 : i32
    "tpu.region"() ({
      %run_scoped3A = tpu.sem_alloc : memref<!tpu.dma_semaphore, #tpu.memory_space<semaphore_mem>>
      %dma_start3A = arith.constant 0 : i32
      %dma_start3A_11 = arith.constant 0 : i32
      %dma_start3A_12 = tpu.memref_slice %arg6[%arg0, %arg1, %dma_start3A, %dma_start3A_11] : memref<2x16x625x128xf32, #tpu.memory_space<hbm>> -> memref<1x1x625x128xf32, #tpu.memory_space<hbm>>
      %dma_start3A_13 = tpu.memref_squeeze %dma_start3A_12 : memref<1x1x625x128xf32, #tpu.memory_space<hbm>> -> memref<625x128xf32, #tpu.memory_space<hbm>>
      %dma_start3A_14 = arith.constant 0 : i32
      %dma_start3A_15 = tpu.memref_slice %arg7[%mul3A_10, %dma_start3A_14] : memref<10000x128xf32, #tpu.memory_space<vmem_shared>> -> memref<625x128xf32, #tpu.memory_space<vmem_shared>>
      tpu.enqueue_dma source(%dma_start3A_15 : memref<625x128xf32, #tpu.memory_space<vmem_shared>>) target(%dma_start3A_13 : memref<625x128xf32, #tpu.memory_space<hbm>>) target_semaphore(%run_scoped3A : memref<!tpu.dma_semaphore, #tpu.memory_space<semaphore_mem>>)
      %dma_wait3A = arith.constant 0 : i32
      %dma_wait3A_16 = arith.constant 0 : i32
      %dma_wait3A_17 = tpu.memref_slice %arg6[%arg0, %arg1, %dma_wait3A, %dma_wait3A_16] : memref<2x16x625x128xf32, #tpu.memory_space<hbm>> -> memref<1x1x625x128xf32, #tpu.memory_space<hbm>>
      %dma_wait3A_18 = tpu.memref_squeeze %dma_wait3A_17 : memref<1x1x625x128xf32, #tpu.memory_space<hbm>> -> memref<625x128xf32, #tpu.memory_space<hbm>>
      %dma_wait3A_19 = arith.constant 0 : i32
      %dma_wait3A_20 = tpu.memref_slice %arg7[%mul3A_10, %dma_wait3A_19] : memref<10000x128xf32, #tpu.memory_space<vmem_shared>> -> memref<625x128xf32, #tpu.memory_space<vmem_shared>>
      tpu.wait_dma2 semaphore(%run_scoped3A : memref<!tpu.dma_semaphore, #tpu.memory_space<semaphore_mem>>) src(%dma_wait3A_20 : memref<625x128xf32, #tpu.memory_space<vmem_shared>>) dst(%dma_wait3A_18 : memref<625x128xf32, #tpu.memory_space<hbm>>)
      tpu.yield
    }) : () -> ()
    return
  }
}

#map = affine_map<(d0, d1) -> (0, 0)>
#map1 = affine_map<(d0, d1) -> (0, 0, 0)>
#map2 = affine_map<(d0, d1) -> (0, 0, 0, 0)>
module attributes {stable_mosaic.version = 14 : i64} {
  func.func @k(%arg0: i32, %arg1: i32, %arg2: memref<10000x128xf32, #tpu.memory_space<hbm>>, %arg3: memref<160x25x80xi32, #tpu.memory_space<hbm>>, %arg4: memref<160x25x80xi32, #tpu.memory_space<hbm>>, %arg5: memref<625x128xf32, #tpu.memory_space<hbm>>, %arg6: memref<2x16x625x128xf32, #tpu.memory_space<hbm>>, %arg7: memref<10000x128xf32, #tpu.memory_space<vmem_shared>>, %arg8: memref<25x80xi32, #tpu.memory_space<vmem>>, %arg9: memref<25x80xi32, #tpu.memory_space<vmem>>, %arg10: memref<80x128xf32, #tpu.memory_space<vmem>>, %arg11: memref<80x128xf32, #tpu.memory_space<vmem>>, %arg12: memref<!tpu.dma_semaphore, #tpu.memory_space<semaphore_mem>>, %arg13: memref<!tpu.dma_semaphore, #tpu.memory_space<semaphore_mem>>) attributes {dimension_semantics = [#tpu.dimension_semantics<core_parallel>, #tpu.dimension_semantics<subcore_parallel>], iteration_bounds = array<i64: 2, 16>, scalar_prefetch = 0 : i64, scratch_operands = 7 : i64, tpu.core_type = #tpu.core_type<sc_vector_subcore>, window_params = [{transform_indices = #map}, {transform_indices = #map1}, {transform_indices = #map1}, {transform_indices = #map}, {transform_indices = #map2}]} {
    %mul3A = arith.constant 2 : i32
    %mul3A_0 = arith.muli %arg1, %mul3A : i32
    %add3A = arith.addi %mul3A_0, %arg0 : i32
    %mul3A_1 = arith.constant 625 : i32
    %mul3A_2 = arith.muli %arg1, %mul3A_1 : i32
    "tpu.region"() ({
      %run_scoped3A = tpu.sem_alloc : memref<!tpu.dma_semaphore, #tpu.memory_space<semaphore_mem>>
      %dma_start3A = arith.constant 0 : i32
      %dma_start3A_11 = tpu.memref_slice %arg7[%mul3A_2, %dma_start3A] : memref<10000x128xf32, #tpu.memory_space<vmem_shared>> -> memref<625x128xf32, #tpu.memory_space<vmem_shared>>
      tpu.enqueue_dma source(%arg5 : memref<625x128xf32, #tpu.memory_space<hbm>>) target(%dma_start3A_11 : memref<625x128xf32, #tpu.memory_space<vmem_shared>>) target_semaphore(%run_scoped3A : memref<!tpu.dma_semaphore, #tpu.memory_space<semaphore_mem>>)
      %dma_wait3A = arith.constant 0 : i32
      %dma_wait3A_12 = tpu.memref_slice %arg7[%mul3A_2, %dma_wait3A] : memref<10000x128xf32, #tpu.memory_space<vmem_shared>> -> memref<625x128xf32, #tpu.memory_space<vmem_shared>>
      tpu.wait_dma2 semaphore(%run_scoped3A : memref<!tpu.dma_semaphore, #tpu.memory_space<semaphore_mem>>) src(%arg5 : memref<625x128xf32, #tpu.memory_space<hbm>>) dst(%dma_wait3A_12 : memref<625x128xf32, #tpu.memory_space<vmem_shared>>)
      tpu.yield
    }) : () -> ()
    %barrier3A = arith.constant 0 : index
    tpu.barrier barrier_id(%barrier3A)
    %scan3A = arith.constant 0 : i32
    %scan3A_3 = arith.constant 0 : i32
    %scan3A_4 = arith.constant 5 : i32
    %scan3A_5 = arith.addi %scan3A_3, %scan3A_4 : i32
    %scan3A_6 = arith.constant 1 : i32
    scf.for %scan3A_11 = %scan3A_3 to %scan3A_5 step %scan3A_6  : i32 {
      %mul3A_12 = arith.constant 5 : i32
      %mul3A_13 = arith.muli %add3A, %mul3A_12 : i32
      %add3A_14 = arith.addi %mul3A_13, %scan3A_11 : i32
      "tpu.region"() ({
        %run_scoped3A = tpu.sem_alloc : memref<!tpu.dma_semaphore, #tpu.memory_space<semaphore_mem>>
        %dma_start3A = arith.constant 0 : i32
        %dma_start3A_24 = arith.constant 0 : i32
        %dma_start3A_25 = tpu.memref_slice %arg3[%add3A_14, %dma_start3A, %dma_start3A_24] : memref<160x25x80xi32, #tpu.memory_space<hbm>> -> memref<1x25x80xi32, #tpu.memory_space<hbm>>
        %dma_start3A_26 = tpu.memref_squeeze %dma_start3A_25 : memref<1x25x80xi32, #tpu.memory_space<hbm>> -> memref<25x80xi32, #tpu.memory_space<hbm>>
        %dma_start3A_27 = arith.constant 0 : i32
        %dma_start3A_28 = arith.constant 0 : i32
        %dma_start3A_29 = tpu.memref_slice %arg3[%add3A_14, %dma_start3A_27, %dma_start3A_28] : memref<160x25x80xi32, #tpu.memory_space<hbm>> -> memref<1x25x80xi32, #tpu.memory_space<hbm>>
        %dma_start3A_30 = tpu.memref_squeeze %dma_start3A_29 : memref<1x25x80xi32, #tpu.memory_space<hbm>> -> memref<25x80xi32, #tpu.memory_space<hbm>>
        tpu.enqueue_dma source(%dma_start3A_30 : memref<25x80xi32, #tpu.memory_space<hbm>>) target(%arg8 : memref<25x80xi32, #tpu.memory_space<vmem>>) target_semaphore(%run_scoped3A : memref<!tpu.dma_semaphore, #tpu.memory_space<semaphore_mem>>)
        %dma_wait3A = arith.constant 0 : i32
        %dma_wait3A_31 = arith.constant 0 : i32
        %dma_wait3A_32 = tpu.memref_slice %arg3[%add3A_14, %dma_wait3A, %dma_wait3A_31] : memref<160x25x80xi32, #tpu.memory_space<hbm>> -> memref<1x25x80xi32, #tpu.memory_space<hbm>>
        %dma_wait3A_33 = tpu.memref_squeeze %dma_wait3A_32 : memref<1x25x80xi32, #tpu.memory_space<hbm>> -> memref<25x80xi32, #tpu.memory_space<hbm>>
        %dma_wait3A_34 = arith.constant 0 : i32
        %dma_wait3A_35 = arith.constant 0 : i32
        %dma_wait3A_36 = tpu.memref_slice %arg3[%add3A_14, %dma_wait3A_34, %dma_wait3A_35] : memref<160x25x80xi32, #tpu.memory_space<hbm>> -> memref<1x25x80xi32, #tpu.memory_space<hbm>>
        %dma_wait3A_37 = tpu.memref_squeeze %dma_wait3A_36 : memref<1x25x80xi32, #tpu.memory_space<hbm>> -> memref<25x80xi32, #tpu.memory_space<hbm>>
        tpu.wait_dma2 semaphore(%run_scoped3A : memref<!tpu.dma_semaphore, #tpu.memory_space<semaphore_mem>>) src(%dma_wait3A_37 : memref<25x80xi32, #tpu.memory_space<hbm>>) dst(%arg8 : memref<25x80xi32, #tpu.memory_space<vmem>>)
        tpu.yield
      }) : () -> ()
      %mul3A_15 = arith.constant 5 : i32
      %mul3A_16 = arith.muli %add3A, %mul3A_15 : i32
      %add3A_17 = arith.addi %mul3A_16, %scan3A_11 : i32
      "tpu.region"() ({
        %run_scoped3A = tpu.sem_alloc : memref<!tpu.dma_semaphore, #tpu.memory_space<semaphore_mem>>
        %dma_start3A = arith.constant 0 : i32
        %dma_start3A_24 = arith.constant 0 : i32
        %dma_start3A_25 = tpu.memref_slice %arg4[%add3A_17, %dma_start3A, %dma_start3A_24] : memref<160x25x80xi32, #tpu.memory_space<hbm>> -> memref<1x25x80xi32, #tpu.memory_space<hbm>>
        %dma_start3A_26 = tpu.memref_squeeze %dma_start3A_25 : memref<1x25x80xi32, #tpu.memory_space<hbm>> -> memref<25x80xi32, #tpu.memory_space<hbm>>
        %dma_start3A_27 = arith.constant 0 : i32
        %dma_start3A_28 = arith.constant 0 : i32
        %dma_start3A_29 = tpu.memref_slice %arg4[%add3A_17, %dma_start3A_27, %dma_start3A_28] : memref<160x25x80xi32, #tpu.memory_space<hbm>> -> memref<1x25x80xi32, #tpu.memory_space<hbm>>
        %dma_start3A_30 = tpu.memref_squeeze %dma_start3A_29 : memref<1x25x80xi32, #tpu.memory_space<hbm>> -> memref<25x80xi32, #tpu.memory_space<hbm>>
        tpu.enqueue_dma source(%dma_start3A_30 : memref<25x80xi32, #tpu.memory_space<hbm>>) target(%arg9 : memref<25x80xi32, #tpu.memory_space<vmem>>) target_semaphore(%run_scoped3A : memref<!tpu.dma_semaphore, #tpu.memory_space<semaphore_mem>>)
        %dma_wait3A = arith.constant 0 : i32
        %dma_wait3A_31 = arith.constant 0 : i32
        %dma_wait3A_32 = tpu.memref_slice %arg4[%add3A_17, %dma_wait3A, %dma_wait3A_31] : memref<160x25x80xi32, #tpu.memory_space<hbm>> -> memref<1x25x80xi32, #tpu.memory_space<hbm>>
        %dma_wait3A_33 = tpu.memref_squeeze %dma_wait3A_32 : memref<1x25x80xi32, #tpu.memory_space<hbm>> -> memref<25x80xi32, #tpu.memory_space<hbm>>
        %dma_wait3A_34 = arith.constant 0 : i32
        %dma_wait3A_35 = arith.constant 0 : i32
        %dma_wait3A_36 = tpu.memref_slice %arg4[%add3A_17, %dma_wait3A_34, %dma_wait3A_35] : memref<160x25x80xi32, #tpu.memory_space<hbm>> -> memref<1x25x80xi32, #tpu.memory_space<hbm>>
        %dma_wait3A_37 = tpu.memref_squeeze %dma_wait3A_36 : memref<1x25x80xi32, #tpu.memory_space<hbm>> -> memref<25x80xi32, #tpu.memory_space<hbm>>
        tpu.wait_dma2 semaphore(%run_scoped3A : memref<!tpu.dma_semaphore, #tpu.memory_space<semaphore_mem>>) src(%dma_wait3A_37 : memref<25x80xi32, #tpu.memory_space<hbm>>) dst(%arg9 : memref<25x80xi32, #tpu.memory_space<vmem>>)
        tpu.yield
      }) : () -> ()
      %scan3A_18 = arith.constant 0 : i32
      %scan3A_19 = arith.constant 0 : i32
      %scan3A_20 = arith.constant 25 : i32
      %scan3A_21 = arith.addi %scan3A_19, %scan3A_20 : i32
      %scan3A_22 = arith.constant 1 : i32
      scf.for %scan3A_24 = %scan3A_19 to %scan3A_21 step %scan3A_22  : i32 {
        %dma_start3A = arith.constant 0 : i32
        %dma_start3A_25 = tpu.memref_slice %arg8[%scan3A_24, %dma_start3A] : memref<25x80xi32, #tpu.memory_space<vmem>> -> memref<1x80xi32, #tpu.memory_space<vmem>>
        %dma_start3A_26 = tpu.memref_squeeze %dma_start3A_25 : memref<1x80xi32, #tpu.memory_space<vmem>> -> memref<80xi32, #tpu.memory_space<vmem>>
        %dma_start3A_27 = arith.constant 0 : i32
        %dma_start3A_28 = arith.constant 0 : i32
        %dma_start3A_29 = tpu.memref_slice %arg2[%dma_start3A_27, %dma_start3A_28] : memref<10000x128xf32, #tpu.memory_space<hbm>> -> memref<10000x128xf32, #tpu.memory_space<hbm>>
        tpu.enqueue_indirect_dma source(%dma_start3A_29 : memref<10000x128xf32, #tpu.memory_space<hbm>>) target(%arg10 : memref<80x128xf32, #tpu.memory_space<vmem>>) offsets(%dma_start3A_26 : memref<80xi32, #tpu.memory_space<vmem>>) semaphore(%arg12 : memref<!tpu.dma_semaphore, #tpu.memory_space<semaphore_mem>>)
        %dma_wait3A = arith.constant 0 : i32
        %dma_wait3A_30 = tpu.memref_slice %arg8[%scan3A_24, %dma_wait3A] : memref<25x80xi32, #tpu.memory_space<vmem>> -> memref<1x80xi32, #tpu.memory_space<vmem>>
        %dma_wait3A_31 = tpu.memref_squeeze %dma_wait3A_30 : memref<1x80xi32, #tpu.memory_space<vmem>> -> memref<80xi32, #tpu.memory_space<vmem>>
        %dma_wait3A_32 = arith.constant 0 : i32
        %dma_wait3A_33 = arith.constant 0 : i32
        %dma_wait3A_34 = tpu.memref_slice %arg2[%dma_wait3A_32, %dma_wait3A_33] : memref<10000x128xf32, #tpu.memory_space<hbm>> -> memref<10000x128xf32, #tpu.memory_space<hbm>>
        tpu.wait_indirect_dma semaphore(%arg12 : memref<!tpu.dma_semaphore, #tpu.memory_space<semaphore_mem>>) src(%dma_wait3A_34 : memref<10000x128xf32, #tpu.memory_space<hbm>>) dst(%arg10 : memref<80x128xf32, #tpu.memory_space<vmem>>)
        "tpu.region"() ({
          %run_scoped3A = tpu.sem_alloc : memref<!tpu.dma_semaphore, #tpu.memory_space<semaphore_mem>>
          %dma_start3A_35 = arith.constant 0 : i32
          %dma_start3A_36 = tpu.memref_slice %arg9[%scan3A_24, %dma_start3A_35] : memref<25x80xi32, #tpu.memory_space<vmem>> -> memref<1x80xi32, #tpu.memory_space<vmem>>
          %dma_start3A_37 = tpu.memref_squeeze %dma_start3A_36 : memref<1x80xi32, #tpu.memory_space<vmem>> -> memref<80xi32, #tpu.memory_space<vmem>>
          %dma_start3A_38 = arith.constant 0 : i32
          %dma_start3A_39 = arith.constant 0 : i32
          %dma_start3A_40 = tpu.memref_slice %arg7[%dma_start3A_38, %dma_start3A_39] : memref<10000x128xf32, #tpu.memory_space<vmem_shared>> -> memref<10000x128xf32, #tpu.memory_space<vmem_shared>>
          tpu.enqueue_indirect_dma source(%arg10 : memref<80x128xf32, #tpu.memory_space<vmem>>) target(%dma_start3A_40 : memref<10000x128xf32, #tpu.memory_space<vmem_shared>>) offsets(%dma_start3A_37 : memref<80xi32, #tpu.memory_space<vmem>>) semaphore(%run_scoped3A : memref<!tpu.dma_semaphore, #tpu.memory_space<semaphore_mem>>) {add = true}
          %dma_wait3A_41 = arith.constant 0 : i32
          %dma_wait3A_42 = tpu.memref_slice %arg9[%scan3A_24, %dma_wait3A_41] : memref<25x80xi32, #tpu.memory_space<vmem>> -> memref<1x80xi32, #tpu.memory_space<vmem>>
          %dma_wait3A_43 = tpu.memref_squeeze %dma_wait3A_42 : memref<1x80xi32, #tpu.memory_space<vmem>> -> memref<80xi32, #tpu.memory_space<vmem>>
          %dma_wait3A_44 = arith.constant 0 : i32
          %dma_wait3A_45 = arith.constant 0 : i32
          %dma_wait3A_46 = tpu.memref_slice %arg7[%dma_wait3A_44, %dma_wait3A_45] : memref<10000x128xf32, #tpu.memory_space<vmem_shared>> -> memref<10000x128xf32, #tpu.memory_space<vmem_shared>>
          tpu.wait_indirect_dma semaphore(%run_scoped3A : memref<!tpu.dma_semaphore, #tpu.memory_space<semaphore_mem>>) src(%arg10 : memref<80x128xf32, #tpu.memory_space<vmem>>) dst(%dma_wait3A_46 : memref<10000x128xf32, #tpu.memory_space<vmem_shared>>)
          tpu.yield
        }) : () -> ()
      }
      %scan3A_23 = arith.constant 25 : i32
    }
    %scan3A_7 = arith.constant 5 : i32
    %barrier3A_8 = arith.constant 0 : index
    tpu.barrier barrier_id(%barrier3A_8)
    %mul3A_9 = arith.constant 625 : i32
    %mul3A_10 = arith.muli %arg1, %mul3A_9 : i32
    "tpu.region"() ({
      %run_scoped3A = tpu.sem_alloc : memref<!tpu.dma_semaphore, #tpu.memory_space<semaphore_mem>>
      %dma_start3A = arith.constant 0 : i32
      %dma_start3A_11 = arith.constant 0 : i32
      %dma_start3A_12 = tpu.memref_slice %arg6[%arg0, %arg1, %dma_start3A, %dma_start3A_11] : memref<2x16x625x128xf32, #tpu.memory_space<hbm>> -> memref<1x1x625x128xf32, #tpu.memory_space<hbm>>
      %dma_start3A_13 = tpu.memref_squeeze %dma_start3A_12 : memref<1x1x625x128xf32, #tpu.memory_space<hbm>> -> memref<625x128xf32, #tpu.memory_space<hbm>>
      %dma_start3A_14 = arith.constant 0 : i32
      %dma_start3A_15 = tpu.memref_slice %arg7[%mul3A_10, %dma_start3A_14] : memref<10000x128xf32, #tpu.memory_space<vmem_shared>> -> memref<625x128xf32, #tpu.memory_space<vmem_shared>>
      tpu.enqueue_dma source(%dma_start3A_15 : memref<625x128xf32, #tpu.memory_space<vmem_shared>>) target(%dma_start3A_13 : memref<625x128xf32, #tpu.memory_space<hbm>>) target_semaphore(%run_scoped3A : memref<!tpu.dma_semaphore, #tpu.memory_space<semaphore_mem>>)
      %dma_wait3A = arith.constant 0 : i32
      %dma_wait3A_16 = arith.constant 0 : i32
      %dma_wait3A_17 = tpu.memref_slice %arg6[%arg0, %arg1, %dma_wait3A, %dma_wait3A_16] : memref<2x16x625x128xf32, #tpu.memory_space<hbm>> -> memref<1x1x625x128xf32, #tpu.memory_space<hbm>>
      %dma_wait3A_18 = tpu.memref_squeeze %dma_wait3A_17 : memref<1x1x625x128xf32, #tpu.memory_space<hbm>> -> memref<625x128xf32, #tpu.memory_space<hbm>>
      %dma_wait3A_19 = arith.constant 0 : i32
      %dma_wait3A_20 = tpu.memref_slice %arg7[%mul3A_10, %dma_wait3A_19] : memref<10000x128xf32, #tpu.memory_space<vmem_shared>> -> memref<625x128xf32, #tpu.memory_space<vmem_shared>>
      tpu.wait_dma2 semaphore(%run_scoped3A : memref<!tpu.dma_semaphore, #tpu.memory_space<semaphore_mem>>) src(%dma_wait3A_20 : memref<625x128xf32, #tpu.memory_space<vmem_shared>>) dst(%dma_wait3A_18 : memref<625x128xf32, #tpu.memory_space<hbm>>)
      tpu.yield
    }) : () -> ()
    return
  }
}

#map = affine_map<(d0, d1) -> (0, 0)>
#map1 = affine_map<(d0, d1) -> (0, 0, 0)>
#map2 = affine_map<(d0, d1) -> (0, 0, 0, 0)>
module attributes {stable_mosaic.version = 14 : i64} {
  func.func @k(%arg0: i32, %arg1: i32, %arg2: memref<80x128xf32, #tpu.memory_space<hbm>>, %arg3: memref<160x25x80xi32, #tpu.memory_space<hbm>>, %arg4: memref<625x128xf32, #tpu.memory_space<hbm>>, %arg5: memref<2x16x625x128xf32, #tpu.memory_space<hbm>>, %arg6: memref<10000x128xf32, #tpu.memory_space<vmem_shared>>, %arg7: memref<25x80xi32, #tpu.memory_space<vmem>>, %arg8: memref<80x128xf32, #tpu.memory_space<vmem>>) attributes {dimension_semantics = [#tpu.dimension_semantics<core_parallel>, #tpu.dimension_semantics<subcore_parallel>], iteration_bounds = array<i64: 2, 16>, scalar_prefetch = 0 : i64, scratch_operands = 3 : i64, tpu.core_type = #tpu.core_type<sc_vector_subcore>, window_params = [{transform_indices = #map}, {transform_indices = #map1}, {transform_indices = #map}, {transform_indices = #map2}]} {
    %mul3A = arith.constant 2 : i32
    %mul3A_0 = arith.muli %arg1, %mul3A : i32
    %add3A = arith.addi %mul3A_0, %arg0 : i32
    %mul3A_1 = arith.constant 625 : i32
    %mul3A_2 = arith.muli %arg1, %mul3A_1 : i32
    "tpu.region"() ({
      %run_scoped3A = tpu.sem_alloc : memref<!tpu.dma_semaphore, #tpu.memory_space<semaphore_mem>>
      %dma_start3A = arith.constant 0 : i32
      %dma_start3A_11 = tpu.memref_slice %arg6[%mul3A_2, %dma_start3A] : memref<10000x128xf32, #tpu.memory_space<vmem_shared>> -> memref<625x128xf32, #tpu.memory_space<vmem_shared>>
      tpu.enqueue_dma source(%arg4 : memref<625x128xf32, #tpu.memory_space<hbm>>) target(%dma_start3A_11 : memref<625x128xf32, #tpu.memory_space<vmem_shared>>) target_semaphore(%run_scoped3A : memref<!tpu.dma_semaphore, #tpu.memory_space<semaphore_mem>>)
      %dma_wait3A = arith.constant 0 : i32
      %dma_wait3A_12 = tpu.memref_slice %arg6[%mul3A_2, %dma_wait3A] : memref<10000x128xf32, #tpu.memory_space<vmem_shared>> -> memref<625x128xf32, #tpu.memory_space<vmem_shared>>
      tpu.wait_dma2 semaphore(%run_scoped3A : memref<!tpu.dma_semaphore, #tpu.memory_space<semaphore_mem>>) src(%arg4 : memref<625x128xf32, #tpu.memory_space<hbm>>) dst(%dma_wait3A_12 : memref<625x128xf32, #tpu.memory_space<vmem_shared>>)
      tpu.yield
    }) : () -> ()
    "tpu.region"() ({
      %run_scoped3A = tpu.sem_alloc : memref<!tpu.dma_semaphore, #tpu.memory_space<semaphore_mem>>
      tpu.enqueue_dma source(%arg2 : memref<80x128xf32, #tpu.memory_space<hbm>>) target(%arg8 : memref<80x128xf32, #tpu.memory_space<vmem>>) target_semaphore(%run_scoped3A : memref<!tpu.dma_semaphore, #tpu.memory_space<semaphore_mem>>)
      tpu.wait_dma2 semaphore(%run_scoped3A : memref<!tpu.dma_semaphore, #tpu.memory_space<semaphore_mem>>) src(%arg2 : memref<80x128xf32, #tpu.memory_space<hbm>>) dst(%arg8 : memref<80x128xf32, #tpu.memory_space<vmem>>)
      tpu.yield
    }) : () -> ()
    %barrier3A = arith.constant 0 : index
    tpu.barrier barrier_id(%barrier3A)
    %scan3A = arith.constant 0 : i32
    %scan3A_3 = arith.constant 0 : i32
    %scan3A_4 = arith.constant 5 : i32
    %scan3A_5 = arith.addi %scan3A_3, %scan3A_4 : i32
    %scan3A_6 = arith.constant 1 : i32
    scf.for %scan3A_11 = %scan3A_3 to %scan3A_5 step %scan3A_6  : i32 {
      %mul3A_12 = arith.constant 5 : i32
      %mul3A_13 = arith.muli %add3A, %mul3A_12 : i32
      %add3A_14 = arith.addi %mul3A_13, %scan3A_11 : i32
      "tpu.region"() ({
        %run_scoped3A = tpu.sem_alloc : memref<!tpu.dma_semaphore, #tpu.memory_space<semaphore_mem>>
        %dma_start3A = arith.constant 0 : i32
        %dma_start3A_21 = arith.constant 0 : i32
        %dma_start3A_22 = tpu.memref_slice %arg3[%add3A_14, %dma_start3A, %dma_start3A_21] : memref<160x25x80xi32, #tpu.memory_space<hbm>> -> memref<1x25x80xi32, #tpu.memory_space<hbm>>
        %dma_start3A_23 = tpu.memref_squeeze %dma_start3A_22 : memref<1x25x80xi32, #tpu.memory_space<hbm>> -> memref<25x80xi32, #tpu.memory_space<hbm>>
        %dma_start3A_24 = arith.constant 0 : i32
        %dma_start3A_25 = arith.constant 0 : i32
        %dma_start3A_26 = tpu.memref_slice %arg3[%add3A_14, %dma_start3A_24, %dma_start3A_25] : memref<160x25x80xi32, #tpu.memory_space<hbm>> -> memref<1x25x80xi32, #tpu.memory_space<hbm>>
        %dma_start3A_27 = tpu.memref_squeeze %dma_start3A_26 : memref<1x25x80xi32, #tpu.memory_space<hbm>> -> memref<25x80xi32, #tpu.memory_space<hbm>>
        tpu.enqueue_dma source(%dma_start3A_27 : memref<25x80xi32, #tpu.memory_space<hbm>>) target(%arg7 : memref<25x80xi32, #tpu.memory_space<vmem>>) target_semaphore(%run_scoped3A : memref<!tpu.dma_semaphore, #tpu.memory_space<semaphore_mem>>)
        %dma_wait3A = arith.constant 0 : i32
        %dma_wait3A_28 = arith.constant 0 : i32
        %dma_wait3A_29 = tpu.memref_slice %arg3[%add3A_14, %dma_wait3A, %dma_wait3A_28] : memref<160x25x80xi32, #tpu.memory_space<hbm>> -> memref<1x25x80xi32, #tpu.memory_space<hbm>>
        %dma_wait3A_30 = tpu.memref_squeeze %dma_wait3A_29 : memref<1x25x80xi32, #tpu.memory_space<hbm>> -> memref<25x80xi32, #tpu.memory_space<hbm>>
        %dma_wait3A_31 = arith.constant 0 : i32
        %dma_wait3A_32 = arith.constant 0 : i32
        %dma_wait3A_33 = tpu.memref_slice %arg3[%add3A_14, %dma_wait3A_31, %dma_wait3A_32] : memref<160x25x80xi32, #tpu.memory_space<hbm>> -> memref<1x25x80xi32, #tpu.memory_space<hbm>>
        %dma_wait3A_34 = tpu.memref_squeeze %dma_wait3A_33 : memref<1x25x80xi32, #tpu.memory_space<hbm>> -> memref<25x80xi32, #tpu.memory_space<hbm>>
        tpu.wait_dma2 semaphore(%run_scoped3A : memref<!tpu.dma_semaphore, #tpu.memory_space<semaphore_mem>>) src(%dma_wait3A_34 : memref<25x80xi32, #tpu.memory_space<hbm>>) dst(%arg7 : memref<25x80xi32, #tpu.memory_space<vmem>>)
        tpu.yield
      }) : () -> ()
      %scan3A_15 = arith.constant 0 : i32
      %scan3A_16 = arith.constant 0 : i32
      %scan3A_17 = arith.constant 25 : i32
      %scan3A_18 = arith.addi %scan3A_16, %scan3A_17 : i32
      %scan3A_19 = arith.constant 1 : i32
      scf.for %scan3A_21 = %scan3A_16 to %scan3A_18 step %scan3A_19  : i32 {
        "tpu.region"() ({
          %run_scoped3A = tpu.sem_alloc : memref<!tpu.dma_semaphore, #tpu.memory_space<semaphore_mem>>
          %dma_start3A = arith.constant 0 : i32
          %dma_start3A_22 = tpu.memref_slice %arg7[%scan3A_21, %dma_start3A] : memref<25x80xi32, #tpu.memory_space<vmem>> -> memref<1x80xi32, #tpu.memory_space<vmem>>
          %dma_start3A_23 = tpu.memref_squeeze %dma_start3A_22 : memref<1x80xi32, #tpu.memory_space<vmem>> -> memref<80xi32, #tpu.memory_space<vmem>>
          %dma_start3A_24 = arith.constant 0 : i32
          %dma_start3A_25 = arith.constant 0 : i32
          %dma_start3A_26 = tpu.memref_slice %arg6[%dma_start3A_24, %dma_start3A_25] : memref<10000x128xf32, #tpu.memory_space<vmem_shared>> -> memref<10000x128xf32, #tpu.memory_space<vmem_shared>>
          tpu.enqueue_indirect_dma source(%arg8 : memref<80x128xf32, #tpu.memory_space<vmem>>) target(%dma_start3A_26 : memref<10000x128xf32, #tpu.memory_space<vmem_shared>>) offsets(%dma_start3A_23 : memref<80xi32, #tpu.memory_space<vmem>>) semaphore(%run_scoped3A : memref<!tpu.dma_semaphore, #tpu.memory_space<semaphore_mem>>) {add = true}
          %dma_wait3A = arith.constant 0 : i32
          %dma_wait3A_27 = tpu.memref_slice %arg7[%scan3A_21, %dma_wait3A] : memref<25x80xi32, #tpu.memory_space<vmem>> -> memref<1x80xi32, #tpu.memory_space<vmem>>
          %dma_wait3A_28 = tpu.memref_squeeze %dma_wait3A_27 : memref<1x80xi32, #tpu.memory_space<vmem>> -> memref<80xi32, #tpu.memory_space<vmem>>
          %dma_wait3A_29 = arith.constant 0 : i32
          %dma_wait3A_30 = arith.constant 0 : i32
          %dma_wait3A_31 = tpu.memref_slice %arg6[%dma_wait3A_29, %dma_wait3A_30] : memref<10000x128xf32, #tpu.memory_space<vmem_shared>> -> memref<10000x128xf32, #tpu.memory_space<vmem_shared>>
          tpu.wait_indirect_dma semaphore(%run_scoped3A : memref<!tpu.dma_semaphore, #tpu.memory_space<semaphore_mem>>) src(%arg8 : memref<80x128xf32, #tpu.memory_space<vmem>>) dst(%dma_wait3A_31 : memref<10000x128xf32, #tpu.memory_space<vmem_shared>>)
          tpu.yield
        }) : () -> ()
      }
      %scan3A_20 = arith.constant 25 : i32
    }
    %scan3A_7 = arith.constant 5 : i32
    %barrier3A_8 = arith.constant 0 : index
    tpu.barrier barrier_id(%barrier3A_8)
    %mul3A_9 = arith.constant 625 : i32
    %mul3A_10 = arith.muli %arg1, %mul3A_9 : i32
    "tpu.region"() ({
      %run_scoped3A = tpu.sem_alloc : memref<!tpu.dma_semaphore, #tpu.memory_space<semaphore_mem>>
      %dma_start3A = arith.constant 0 : i32
      %dma_start3A_11 = arith.constant 0 : i32
      %dma_start3A_12 = tpu.memref_slice %arg5[%arg0, %arg1, %dma_start3A, %dma_start3A_11] : memref<2x16x625x128xf32, #tpu.memory_space<hbm>> -> memref<1x1x625x128xf32, #tpu.memory_space<hbm>>
      %dma_start3A_13 = tpu.memref_squeeze %dma_start3A_12 : memref<1x1x625x128xf32, #tpu.memory_space<hbm>> -> memref<625x128xf32, #tpu.memory_space<hbm>>
      %dma_start3A_14 = arith.constant 0 : i32
      %dma_start3A_15 = tpu.memref_slice %arg6[%mul3A_10, %dma_start3A_14] : memref<10000x128xf32, #tpu.memory_space<vmem_shared>> -> memref<625x128xf32, #tpu.memory_space<vmem_shared>>
      tpu.enqueue_dma source(%dma_start3A_15 : memref<625x128xf32, #tpu.memory_space<vmem_shared>>) target(%dma_start3A_13 : memref<625x128xf32, #tpu.memory_space<hbm>>) target_semaphore(%run_scoped3A : memref<!tpu.dma_semaphore, #tpu.memory_space<semaphore_mem>>)
      %dma_wait3A = arith.constant 0 : i32
      %dma_wait3A_16 = arith.constant 0 : i32
      %dma_wait3A_17 = tpu.memref_slice %arg5[%arg0, %arg1, %dma_wait3A, %dma_wait3A_16] : memref<2x16x625x128xf32, #tpu.memory_space<hbm>> -> memref<1x1x625x128xf32, #tpu.memory_space<hbm>>
      %dma_wait3A_18 = tpu.memref_squeeze %dma_wait3A_17 : memref<1x1x625x128xf32, #tpu.memory_space<hbm>> -> memref<625x128xf32, #tpu.memory_space<hbm>>
      %dma_wait3A_19 = arith.constant 0 : i32
      %dma_wait3A_20 = tpu.memref_slice %arg6[%mul3A_10, %dma_wait3A_19] : memref<10000x128xf32, #tpu.memory_space<vmem_shared>> -> memref<625x128xf32, #tpu.memory_space<vmem_shared>>
      tpu.wait_dma2 semaphore(%run_scoped3A : memref<!tpu.dma_semaphore, #tpu.memory_space<semaphore_mem>>) src(%dma_wait3A_20 : memref<625x128xf32, #tpu.memory_space<vmem_shared>>) dst(%dma_wait3A_18 : memref<625x128xf32, #tpu.memory_space<hbm>>)
      tpu.yield
    }) : () -> ()
    return
  }
}

module attributes {stable_mosaic.version = 14 : i64} {
  func.func @body(%arg0: i32, %arg1: memref<1000x128xf32, #tpu.memory_space<vmem>>, %arg2: memref<128x128xf32, #tpu.memory_space<vmem>>, %arg3: memref<1000x1xf32, #tpu.memory_space<vmem>>, %arg4: memref<1000x128xf32, #tpu.memory_space<vmem>>) attributes {dimension_semantics = [#tpu.dimension_semantics<arbitrary>], iteration_bounds = array<i64: 10>, scalar_prefetch = 0 : i64, scratch_operands = 0 : i64, tpu.core_type = #tpu.core_type<tc>, window_params = [{transform_indices = @transform_0, window_bounds = array<i64: 1000, 128>}, {pipeline_mode = #tpu.pipeline_mode<synchronous>, transform_indices = @transform_1, window_bounds = array<i64: 128, 128>}, {transform_indices = @transform_2, window_bounds = array<i64: 1000, 1>}, {transform_indices = @transform_3, window_bounds = array<i64: 1000, 128>}]} {
    %get3A = arith.constant 0 : index
    %get3A_0 = arith.constant 0 : index
    %get3A_1 = vector.load %arg3[%get3A, %get3A_0] : memref<1000x1xf32, #tpu.memory_space<vmem>>, vector<1000x1xf32>
    %rsqrt3A = math.rsqrt %get3A_1 : vector<1000x1xf32>
    %get3A_2 = arith.constant 0 : index
    %get3A_3 = arith.constant 0 : index
    %get3A_4 = vector.load %arg1[%get3A_2, %get3A_3] : memref<1000x128xf32, #tpu.memory_space<vmem>>, vector<1000x128xf32>
    %get3A_5 = arith.constant 0 : index
    %get3A_6 = arith.constant 0 : index
    %get3A_7 = vector.load %arg2[%get3A_5, %get3A_6] : memref<128x128xf32, #tpu.memory_space<vmem>>, vector<128x128xf32>
    %dot_general3A = arith.constant dense<0.000000e+00> : vector<1000x128xf32>
    %dot_general3A_8 = tpu.matmul %get3A_4, %get3A_7, %dot_general3A {dimension_numbers = #tpu.dot_dimension_numbers<[1], [0], [0], [1], [0, 0, 1, 1], [], []>, transpose_lhs_hint = false} : vector<1000x128xf32>, vector<128x128xf32>, vector<1000x128xf32> -> vector<1000x128xf32>
    %mul3A = vector.broadcast %rsqrt3A : vector<1000x1xf32> to vector<1000x128xf32>
    %mul3A_9 = arith.mulf %dot_general3A_8, %mul3A : vector<1000x128xf32>
    %swap3A = arith.constant 0 : index
    %swap3A_10 = arith.constant 0 : index
    %swap3A_11 = vector.load %arg4[%swap3A, %swap3A_10] : memref<1000x128xf32, #tpu.memory_space<vmem>>, vector<1000x128xf32>
    tpu.vector_store %arg4[%swap3A, %swap3A_10], %mul3A_9 {strides = array<i32>} : memref<1000x128xf32, #tpu.memory_space<vmem>>, vector<1000x128xf32>,
    return
  }
  func.func @transform_0(%arg0: i32) -> (i32, i32) {
    %c0_i32 = arith.constant 0 : i32
    %c0_i32_0 = arith.constant 0 : i32
    return %arg0, %c0_i32 : i32, i32
  }
  func.func @transform_1(%arg0: i32) -> (i32, i32) {
    %c0_i32 = arith.constant 0 : i32
    %c0_i32_0 = arith.constant 0 : i32
    %c0_i32_1 = arith.constant 0 : i32
    return %c0_i32, %c0_i32_0 : i32, i32
  }
  func.func @transform_2(%arg0: i32) -> (i32, i32) {
    %c0_i32 = arith.constant 0 : i32
    %c0_i32_0 = arith.constant 0 : i32
    return %arg0, %c0_i32 : i32, i32
  }
  func.func @transform_3(%arg0: i32) -> (i32, i32) {
    %c0_i32 = arith.constant 0 : i32
    %c0_i32_0 = arith.constant 0 : i32
    return %arg0, %c0_i32 : i32, i32
  }
}

module attributes {stable_mosaic.version = 14 : i64} {
  func.func @body(%arg0: i32, %arg1: memref<1000x128xf32, #tpu.memory_space<vmem>>, %arg2: memref<1000x128xf32, #tpu.memory_space<vmem>>, %arg3: memref<1000x128xf32, #tpu.memory_space<vmem>>, %arg4: memref<1000x1xf32, #tpu.memory_space<vmem>>, %arg5: memref<128x128xf32, #tpu.memory_space<vmem>>, %arg6: memref<1x128xf32, #tpu.memory_space<vmem>>, %arg7: memref<1000x128xf32, #tpu.memory_space<vmem>>) attributes {dimension_semantics = [#tpu.dimension_semantics<arbitrary>], iteration_bounds = array<i64: 10>, scalar_prefetch = 0 : i64, scratch_operands = 0 : i64, tpu.core_type = #tpu.core_type<tc>, window_params = [{transform_indices = @transform_0, window_bounds = array<i64: 1000, 128>}, {transform_indices = @transform_1, window_bounds = array<i64: 1000, 128>}, {transform_indices = @transform_2, window_bounds = array<i64: 1000, 128>}, {transform_indices = @transform_3, window_bounds = array<i64: 1000, 1>}, {pipeline_mode = #tpu.pipeline_mode<synchronous>, transform_indices = @transform_4, window_bounds = array<i64: 128, 128>}, {pipeline_mode = #tpu.pipeline_mode<synchronous>, transform_indices = @transform_5, window_bounds = array<i64: 1, 128>}, {transform_indices = @transform_6, window_bounds = array<i64: 1000, 128>}]} {
    %get3A = arith.constant 0 : index
    %get3A_0 = arith.constant 0 : index
    %get3A_1 = vector.load %arg4[%get3A, %get3A_0] : memref<1000x1xf32, #tpu.memory_space<vmem>>, vector<1000x1xf32>
    %rsqrt3A = math.rsqrt %get3A_1 : vector<1000x1xf32>
    %get3A_2 = arith.constant 0 : index
    %get3A_3 = arith.constant 0 : index
    %get3A_4 = vector.load %arg1[%get3A_2, %get3A_3] : memref<1000x128xf32, #tpu.memory_space<vmem>>, vector<1000x128xf32>
    %get3A_5 = arith.constant 0 : index
    %get3A_6 = arith.constant 0 : index
    %get3A_7 = vector.load %arg2[%get3A_5, %get3A_6] : memref<1000x128xf32, #tpu.memory_space<vmem>>, vector<1000x128xf32>
    %add3A = arith.addf %get3A_4, %get3A_7 : vector<1000x128xf32>
    %get3A_8 = arith.constant 0 : index
    %get3A_9 = arith.constant 0 : index
    %get3A_10 = vector.load %arg3[%get3A_8, %get3A_9] : memref<1000x128xf32, #tpu.memory_space<vmem>>, vector<1000x128xf32>
    %add3A_11 = arith.addf %add3A, %get3A_10 : vector<1000x128xf32>
    %mul3A = vector.broadcast %rsqrt3A : vector<1000x1xf32> to vector<1000x128xf32>
    %mul3A_12 = arith.mulf %add3A_11, %mul3A : vector<1000x128xf32>
    %get3A_13 = arith.constant 0 : index
    %get3A_14 = arith.constant 0 : index
    %get3A_15 = vector.load %arg6[%get3A_13, %get3A_14] : memref<1x128xf32, #tpu.memory_space<vmem>>, vector<1x128xf32>
    %add3A_16 = vector.broadcast %get3A_15 : vector<1x128xf32> to vector<1000x128xf32>
    %add3A_17 = arith.addf %mul3A_12, %add3A_16 : vector<1000x128xf32>
    %logistic3A = arith.negf %add3A_17 : vector<1000x128xf32>
    %logistic3A_18 = math.exp %logistic3A : vector<1000x128xf32>
    %logistic3A_19 = arith.constant 1.000000e+00 : f32
    %logistic3A_20 = vector.broadcast %logistic3A_19 : f32 to vector<1000x128xf32>
    %logistic3A_21 = arith.addf %logistic3A_20, %logistic3A_18 : vector<1000x128xf32>
    %logistic3A_22 = arith.divf %logistic3A_20, %logistic3A_21 : vector<1000x128xf32>
    %get3A_23 = arith.constant 0 : index
    %get3A_24 = arith.constant 0 : index
    %get3A_25 = vector.load %arg5[%get3A_23, %get3A_24] : memref<128x128xf32, #tpu.memory_space<vmem>>, vector<128x128xf32>
    %dot_general3A = arith.constant dense<0.000000e+00> : vector<1000x128xf32>
    %dot_general3A_26 = tpu.matmul %logistic3A_22, %get3A_25, %dot_general3A {dimension_numbers = #tpu.dot_dimension_numbers<[1], [0], [0], [1], [0, 0, 1, 1], [], []>, transpose_lhs_hint = false} : vector<1000x128xf32>, vector<128x128xf32>, vector<1000x128xf32> -> vector<1000x128xf32>
    %mul3A_27 = vector.broadcast %rsqrt3A : vector<1000x1xf32> to vector<1000x128xf32>
    %mul3A_28 = arith.mulf %dot_general3A_26, %mul3A_27 : vector<1000x128xf32>
    %swap3A = arith.constant 0 : index
    %swap3A_29 = arith.constant 0 : index
    %swap3A_30 = vector.load %arg7[%swap3A, %swap3A_29] : memref<1000x128xf32, #tpu.memory_space<vmem>>, vector<1000x128xf32>
    tpu.vector_store %arg7[%swap3A, %swap3A_29], %mul3A_28 {strides = array<i32>} : memref<1000x128xf32, #tpu.memory_space<vmem>>, vector<1000x128xf32>,
    return
  }
  func.func @transform_0(%arg0: i32) -> (i32, i32) {
    %c0_i32 = arith.constant 0 : i32
    %c0_i32_0 = arith.constant 0 : i32
    return %arg0, %c0_i32 : i32, i32
  }
  func.func @transform_1(%arg0: i32) -> (i32, i32) {
    %c0_i32 = arith.constant 0 : i32
    %c0_i32_0 = arith.constant 0 : i32
    return %arg0, %c0_i32 : i32, i32
  }
  func.func @transform_2(%arg0: i32) -> (i32, i32) {
    %c0_i32 = arith.constant 0 : i32
    %c0_i32_0 = arith.constant 0 : i32
    return %arg0, %c0_i32 : i32, i32
  }
  func.func @transform_3(%arg0: i32) -> (i32, i32) {
    %c0_i32 = arith.constant 0 : i32
    %c0_i32_0 = arith.constant 0 : i32
    return %arg0, %c0_i32 : i32, i32
  }
  func.func @transform_4(%arg0: i32) -> (i32, i32) {
    %c0_i32 = arith.constant 0 : i32
    %c0_i32_0 = arith.constant 0 : i32
    %c0_i32_1 = arith.constant 0 : i32
    return %c0_i32, %c0_i32_0 : i32, i32
  }
  func.func @transform_5(%arg0: i32) -> (i32, i32) {
    %c0_i32 = arith.constant 0 : i32
    %c0_i32_0 = arith.constant 0 : i32
    %c0_i32_1 = arith.constant 0 : i32
    return %c0_i32, %c0_i32_0 : i32, i32
  }
  func.func @transform_6(%arg0: i32) -> (i32, i32) {
    %c0_i32 = arith.constant 0 : i32
    %c0_i32_0 = arith.constant 0 : i32
    return %arg0, %c0_i32 : i32, i32
  }
}

module attributes {stable_mosaic.version = 14 : i64} {
  func.func @body(%arg0: memref<10000x128xf32, #tpu.memory_space<vmem>>, %arg1: memref<10000x128xf32, #tpu.memory_space<vmem>>, %arg2: memref<10000x128xf32, #tpu.memory_space<vmem>>, %arg3: memref<10000x1xf32, #tpu.memory_space<vmem>>, %arg4: memref<1x128xf32, #tpu.memory_space<vmem>>, %arg5: memref<1x10000xi32, #tpu.memory_space<vmem>>, %arg6: memref<128x64xf32, #tpu.memory_space<vmem>>, %arg7: memref<1x64xf32, #tpu.memory_space<vmem>>, %arg8: memref<64x16xf32, #tpu.memory_space<vmem>>, %arg9: memref<1x16xf32, #tpu.memory_space<vmem>>, %arg10: memref<16x1xf32, #tpu.memory_space<vmem>>, %arg11: memref<1x1xf32, #tpu.memory_space<vmem>>, %arg12: memref<64x1xf32, #tpu.memory_space<vmem>>) attributes {dimension_semantics = [], scalar_prefetch = 0 : i64, scratch_operands = 0 : i64, tpu.core_type = #tpu.core_type<tc>} {
    %get3A = arith.constant 0 : index
    %get3A_0 = arith.constant 0 : index
    %get3A_1 = vector.load %arg3[%get3A, %get3A_0] : memref<10000x1xf32, #tpu.memory_space<vmem>>, vector<10000x1xf32>
    %rsqrt3A = math.rsqrt %get3A_1 : vector<10000x1xf32>
    %get3A_2 = arith.constant 0 : index
    %get3A_3 = arith.constant 0 : index
    %get3A_4 = vector.load %arg0[%get3A_2, %get3A_3] : memref<10000x128xf32, #tpu.memory_space<vmem>>, vector<10000x128xf32>
    %get3A_5 = arith.constant 0 : index
    %get3A_6 = arith.constant 0 : index
    %get3A_7 = vector.load %arg1[%get3A_5, %get3A_6] : memref<10000x128xf32, #tpu.memory_space<vmem>>, vector<10000x128xf32>
    %add3A = arith.addf %get3A_4, %get3A_7 : vector<10000x128xf32>
    %get3A_8 = arith.constant 0 : index
    %get3A_9 = arith.constant 0 : index
    %get3A_10 = vector.load %arg2[%get3A_8, %get3A_9] : memref<10000x128xf32, #tpu.memory_space<vmem>>, vector<10000x128xf32>
    %add3A_11 = arith.addf %add3A, %get3A_10 : vector<10000x128xf32>
    %mul3A = vector.broadcast %rsqrt3A : vector<10000x1xf32> to vector<10000x128xf32>
    %mul3A_12 = arith.mulf %add3A_11, %mul3A : vector<10000x128xf32>
    %get3A_13 = arith.constant 0 : index
    %get3A_14 = arith.constant 0 : index
    %get3A_15 = vector.load %arg4[%get3A_13, %get3A_14] : memref<1x128xf32, #tpu.memory_space<vmem>>, vector<1x128xf32>
    %add3A_16 = vector.broadcast %get3A_15 : vector<1x128xf32> to vector<10000x128xf32>
    %add3A_17 = arith.addf %mul3A_12, %add3A_16 : vector<10000x128xf32>
    %max3A = arith.constant 0.000000e+00 : f32
    %max3A_18 = vector.broadcast %max3A : f32 to vector<10000x128xf32>
    %max3A_19 = arith.maximumf %add3A_17, %max3A_18 : vector<10000x128xf32>
    %iota3A = tpu.iota {dimensions = array<i32: 0>} : vector<64x10000xi32>
    %get3A_20 = arith.constant 0 : index
    %get3A_21 = arith.constant 0 : index
    %get3A_22 = vector.load %arg5[%get3A_20, %get3A_21] : memref<1x10000xi32, #tpu.memory_space<vmem>>, vector<1x10000xi32>
    %eq3A = vector.broadcast %get3A_22 : vector<1x10000xi32> to vector<64x10000xi32>
    %eq3A_23 = arith.cmpi eq, %eq3A, %iota3A : vector<64x10000xi32>
    %convert_element_type3A = arith.extui %eq3A_23 : vector<64x10000xi1> to vector<64x10000xi32>
    %convert_element_type3A_24 = arith.sitofp %convert_element_type3A : vector<64x10000xi32> to vector<64x10000xf32>
    %dot_general3A = arith.constant dense<0.000000e+00> : vector<64x128xf32>
    %dot_general3A_25 = tpu.matmul %convert_element_type3A_24, %max3A_19, %dot_general3A {dimension_numbers = #tpu.dot_dimension_numbers<[1], [0], [0], [1], [0, 0, 1, 1], [], []>, transpose_lhs_hint = false} : vector<64x10000xf32>, vector<10000x128xf32>, vector<64x128xf32> -> vector<64x128xf32>
    %reduce_sum3A = arith.constant dense<0.000000e+00> : vector<64xf32>
    %reduce_sum3A_26 = vector.multi_reduction <add>, %convert_element_type3A_24, %reduce_sum3A [1] : vector<64x10000xf32> to vector<64xf32>
    %broadcast_in_dim3A = vector.shape_cast %reduce_sum3A_26 : vector<64xf32> to vector<64x1xf32>
    %max3A_27 = arith.constant 1.000000e+00 : f32
    %max3A_28 = vector.broadcast %max3A_27 : f32 to vector<64x1xf32>
    %max3A_29 = arith.maximumf %broadcast_in_dim3A, %max3A_28 : vector<64x1xf32>
    %div3A = vector.broadcast %max3A_29 : vector<64x1xf32> to vector<64x128xf32>
    %div3A_30 = arith.divf %dot_general3A_25, %div3A : vector<64x128xf32>
    %get3A_31 = arith.constant 0 : index
    %get3A_32 = arith.constant 0 : index
    %get3A_33 = vector.load %arg6[%get3A_31, %get3A_32] : memref<128x64xf32, #tpu.memory_space<vmem>>, vector<128x64xf32>
    %dot_general3A_34 = arith.constant dense<0.000000e+00> : vector<64x64xf32>
    %dot_general3A_35 = tpu.matmul %div3A_30, %get3A_33, %dot_general3A_34 {dimension_numbers = #tpu.dot_dimension_numbers<[1], [0], [0], [1], [0, 0, 1, 1], [], []>, transpose_lhs_hint = false} : vector<64x128xf32>, vector<128x64xf32>, vector<64x64xf32> -> vector<64x64xf32>
    %get3A_36 = arith.constant 0 : index
    %get3A_37 = arith.constant 0 : index
    %get3A_38 = vector.load %arg7[%get3A_36, %get3A_37] : memref<1x64xf32, #tpu.memory_space<vmem>>, vector<1x64xf32>
    %add3A_39 = vector.broadcast %get3A_38 : vector<1x64xf32> to vector<64x64xf32>
    %add3A_40 = arith.addf %dot_general3A_35, %add3A_39 : vector<64x64xf32>
    %logistic3A = arith.negf %add3A_40 : vector<64x64xf32>
    %logistic3A_41 = math.exp %logistic3A : vector<64x64xf32>
    %logistic3A_42 = arith.constant 1.000000e+00 : f32
    %logistic3A_43 = vector.broadcast %logistic3A_42 : f32 to vector<64x64xf32>
    %logistic3A_44 = arith.addf %logistic3A_43, %logistic3A_41 : vector<64x64xf32>
    %logistic3A_45 = arith.divf %logistic3A_43, %logistic3A_44 : vector<64x64xf32>
    %get3A_46 = arith.constant 0 : index
    %get3A_47 = arith.constant 0 : index
    %get3A_48 = vector.load %arg8[%get3A_46, %get3A_47] : memref<64x16xf32, #tpu.memory_space<vmem>>, vector<64x16xf32>
    %dot_general3A_49 = arith.constant dense<0.000000e+00> : vector<64x16xf32>
    %dot_general3A_50 = tpu.matmul %logistic3A_45, %get3A_48, %dot_general3A_49 {dimension_numbers = #tpu.dot_dimension_numbers<[1], [0], [0], [1], [0, 0, 1, 1], [], []>, transpose_lhs_hint = false} : vector<64x64xf32>, vector<64x16xf32>, vector<64x16xf32> -> vector<64x16xf32>
    %get3A_51 = arith.constant 0 : index
    %get3A_52 = arith.constant 0 : index
    %get3A_53 = vector.load %arg9[%get3A_51, %get3A_52] : memref<1x16xf32, #tpu.memory_space<vmem>>, vector<1x16xf32>
    %add3A_54 = vector.broadcast %get3A_53 : vector<1x16xf32> to vector<64x16xf32>
    %add3A_55 = arith.addf %dot_general3A_50, %add3A_54 : vector<64x16xf32>
    %max3A_56 = arith.constant 0.000000e+00 : f32
    %max3A_57 = vector.broadcast %max3A_56 : f32 to vector<64x16xf32>
    %max3A_58 = arith.maximumf %add3A_55, %max3A_57 : vector<64x16xf32>
    %get3A_59 = arith.constant 0 : index
    %get3A_60 = arith.constant 0 : index
    %get3A_61 = vector.load %arg10[%get3A_59, %get3A_60] : memref<16x1xf32, #tpu.memory_space<vmem>>, vector<16x1xf32>
    %dot_general3A_62 = arith.constant dense<0.000000e+00> : vector<64x1xf32>
    %dot_general3A_63 = tpu.matmul %max3A_58, %get3A_61, %dot_general3A_62 {dimension_numbers = #tpu.dot_dimension_numbers<[1], [0], [0], [1], [0, 0, 1, 1], [], []>, transpose_lhs_hint = false} : vector<64x16xf32>, vector<16x1xf32>, vector<64x1xf32> -> vector<64x1xf32>
    %get3A_64 = arith.constant 0 : index
    %get3A_65 = arith.constant 0 : index
    %get3A_66 = vector.load %arg11[%get3A_64, %get3A_65] : memref<1x1xf32, #tpu.memory_space<vmem>>, vector<1x1xf32>
    %add3A_67 = vector.broadcast %get3A_66 : vector<1x1xf32> to vector<64x1xf32>
    %add3A_68 = arith.addf %dot_general3A_63, %add3A_67 : vector<64x1xf32>
    %swap3A = arith.constant 0 : index
    %swap3A_69 = arith.constant 0 : index
    %swap3A_70 = vector.load %arg12[%swap3A, %swap3A_69] : memref<64x1xf32, #tpu.memory_space<vmem>>, vector<64x1xf32>
    tpu.vector_store %arg12[%swap3A, %swap3A_69], %add3A_68 {strides = array<i32>} : memref<64x1xf32, #tpu.memory_space<vmem>>, vector<64x1xf32>,
    return
  }
}

</mosaic_0001>

<sc_bundles>
// kernel: kernel.11.cloned.1.call-start
scs
__scs_entry_jumppad:
0x0: {  	(pc) =	sbr.rel $0x88, $3  }
0x1: {  	(tag) =	ssettag $0x0;
	lr =	simm.s32 $0x1  }
0x2: {  	[smem:$0x3F94] =	sst lr;
	_ =	strace $0xD0000000  }
0x3: {  	_ = 	snop  }
0x4: {  	_ = 	snop  }
0x5: {  	_ = 	snop  }
0x6: {  	_ = 	snop  }
0x7: {  	_ = 	snop  }
__scs_overlays_trampoline_lowered:
0x8: {  	[smem:$0x3FA3] =	sst s0  }
0x9: {  	[smem:$0x3FA4] =	sst s1  }
0xa: {  	[smem:$0x3FA5] =	sst s2  }
0xb: {  	[smem:$0x3FA6] =	sst s3  }
0xc: {  	[smem:$0x3FA7] =	sst s4  }
0xd: {  	[smem:$0x3FA8] =	sst s5  }
0xe: {  	[smem:$0x3FA9] =	sst s6  }
0xf: {  	[smem:$0x3FAA] =	sst s7  }
0x10: {  	[smem:$0x3FAB] =	sst s8  }
0x11: {  	[smem:$0x3FAC] =	sst s9;
	s0 =	simm.s32 @!p0 $0x0  }
0x12: {  	s1 =	sld [smem:$0x3F92];
	s0 =	simm.s32 @p0 $0x1  }
0x13: {  	[smem:$0x3FAD] =	sst s0;
	s0 =	simm.s32 @!p1 $0x0  }
0x14: {  	s2 =	sld [smem:$0x3F91];
	s0 =	simm.s32 @p1 $0x1  }
0x15: {  	[smem:$0x3FAE] =	sst s0;
	s0 =	simm.s32 @!p2 $0x0  }
0x16: {  	s3 =	sld [smem:$0x3FDB];
	s0 =	simm.s32 @p2 $0x1  }
0x17: {  	s4 =	simm.s32 $0x1BF5;
	[smem:$0x3FB0] =	sst s0  }
0x18: {  	s0 =	sld [smem:$0x3F93];
	_ =	swait.ge [sflag:s4], $0x0  }
0x19: {  	s7 =	sld [smem:$0x3F94]  }
0x1a: {  	s8 =	sadd.s32 $0xFFFFE003, lr  }
0x1b: {  	s9 =	sadd.s32 $0xFFFFFEF7, lr;
	s5 =	simm.s32 $0xFFFFFFFF;
	p2 =	slt.u32 s8, $0xFFFFF086  }
0x1c: {  	p1 =	slt.u32 s9, $0xF7A;
	s5 =	simm.s32 @!p2 $0x0  }
0x1d: {  	s5 =	simm.s32 @p1 $0x1;
	p0 =	seq.s32 s7, s2  }
0x1e: {  	s7 =	smul.u32 @!p0 $0xF7A, s2;
	p2 =	seq.s32 @!p0 s5, $0x0  }
0x1f: {  	s9 =	smul.u32 $0xF7A, s1;
	s8 =	simm.s32 @!p0 $0x1BF5;
	p2 =	por !p2, p0  }
0x20: {  	[sflag:s8] =	ssyncset.s32 @!p0 $0xFFFFF086;
	s6 =	sadd.s32 @!p0 s3, s7;
	s7 =	simm.s32 @!p0 $0x108  }
0x21: {  	s3 =	sadd.s32 s3, s9;
	s6 =	sadd.s32 @!p0 $0x88, s6;
	s7 =	simm.s32 @p2 $0x1082  }
0x22: {  	[simem:s7], [sflag:s8] =	dma.local @!p0 [hbm:s6], $0xF7A  }
0x23: {  	s9 =	sor.u32 $0xD0000000, s2;
	s6 =	simm.s32 $0x108;
	_ =	swait.ge @!p0 [sflag:s8], $0x0  }
0x24: {  	s3 =	sadd.s32 $0x88, s3;
	s6 =	simm.s32 @!p1 $0x1082;
	[sflag:s4] =	ssyncset.s32 $0xFFFFF086  }
0x25: {  	[simem:s6], [sflag:s4] =	dma.local [hbm:s3], $0xF7A  }
0x26: {  	[smem:$0x3F94] =	sst s1;
	(tag) =	ssettag s2;
	_ =	strace s9  }
0x27: {  	s1 =	sld [smem:$0x3FA4]  }
0x28: {  	s2 =	sld [smem:$0x3FA5]  }
0x29: {  	s4 =	sld [smem:$0x3FA7]  }
0x2a: {  	p0 =	seq.s32 s5, $0x0;
	s5 =	sld [smem:$0x3FA8]  }
0x2b: {  	s6 =	sld [smem:$0x3FA9]  }
0x2c: {  	s7 =	sld [smem:$0x3FAA]  }
0x2d: {  	s3 =	simm.s32 $0x108;
	s8 =	sld [smem:$0x3FAB]  }
0x2e: {  	s3 =	simm.s32 @!p0 $0x1082;
	s9 =	sld [smem:$0x3FAC]  }
0x2f: {  	lr =	sadd.s32 s0, s3;
	s0 =	sld [smem:$0x3FA3]  }
0x30: {  	s3 =	sld [smem:$0x3FA6]  }
0x31: {  	[smem:$0x3FAF] =	sst s10  }
0x32: {  	s10 =	sld [smem:$0x3FAD];
	_ =	sdelay $0x3  }
0x33: {  	p0 =	seq.s32 s10, $0x1;
	s10 =	sld [smem:$0x3FAF];
	_ =	sdelay $0x3  }
0x34: {  	[smem:$0x3FAF] =	sst s10  }
0x35: {  	s10 =	sld [smem:$0x3FAE];
	_ =	sdelay $0x3  }
0x36: {  	p1 =	seq.s32 s10, $0x1;
	s10 =	sld [smem:$0x3FAF];
	_ =	sdelay $0x3  }
0x37: {  	[smem:$0x3FAF] =	sst s10  }
0x38: {  	s10 =	sld [smem:$0x3FB0]  }
0x39: {  	_ = 	snop;
	(pc) =	sbr.ind lr, $3  }
0x3a: {  	_ = 	snop  }
0x3b: {  	_ = 	snop  }
0x3c: {  	p2 =	seq.s32 s10, $0x1;
	s10 =	sld [smem:$0x3FAF]  }
0x3d: {  	_ =	shalt  }
0x3e: {  	_ =	shalt  }
0x3f: {  	_ =	shalt  }
0x40: {  	_ =	shalt  }
0x41: {  	_ =	shalt  }
0x42: {  	_ =	shalt  }
0x43: {  	_ =	shalt  }
0x44: {  	_ =	shalt  }
0x45: {  	_ =	shalt  }
0x46: {  	_ =	shalt  }
0x47: {  	_ =	shalt  }
0x48: {  	_ =	shalt  }
0x49: {  	_ =	shalt  }
0x4a: {  	_ =	shalt  }
0x4b: {  	_ =	shalt  }
0x4c: {  	_ =	shalt  }
0x4d: {  	_ =	shalt  }
0x4e: {  	_ =	shalt  }
0x4f: {  	_ =	shalt  }
0x50: {  	_ =	shalt  }
0x51: {  	_ =	shalt  }
0x52: {  	_ =	shalt  }
0x53: {  	_ =	shalt  }
0x54: {  	_ =	shalt  }
0x55: {  	_ =	shalt  }
0x56: {  	_ =	shalt  }
0x57: {  	_ =	shalt  }
0x58: {  	_ =	shalt  }
0x59: {  	_ =	shalt  }
0x5a: {  	_ =	shalt  }
0x5b: {  	_ =	shalt  }
0x5c: {  	_ =	shalt  }
0x5d: {  	_ =	shalt  }
0x5e: {  	_ =	shalt  }
0x5f: {  	_ =	shalt  }
0x60: {  	_ =	shalt  }
0x61: {  	_ =	shalt  }
0x62: {  	_ =	shalt  }
0x63: {  	_ =	shalt  }
0x64: {  	_ =	shalt  }
0x65: {  	_ =	shalt  }
0x66: {  	_ =	shalt  }
0x67: {  	_ =	shalt  }
0x68: {  	_ =	shalt  }
0x69: {  	_ =	shalt  }
0x6a: {  	_ =	shalt  }
0x6b: {  	_ =	shalt  }
0x6c: {  	_ =	shalt  }
0x6d: {  	_ =	shalt  }
0x6e: {  	_ =	shalt  }
0x6f: {  	_ =	shalt  }
0x70: {  	_ =	shalt  }
0x71: {  	_ =	shalt  }
0x72: {  	_ =	shalt  }
0x73: {  	_ =	shalt  }
0x74: {  	_ =	shalt  }
0x75: {  	_ =	shalt  }
0x76: {  	_ =	shalt  }
0x77: {  	_ =	shalt  }
0x78: {  	_ =	shalt  }
0x79: {  	_ =	shalt  }
0x7a: {  	_ =	shalt  }
0x7b: {  	_ =	shalt  }
0x7c: {  	_ =	shalt  }
0x7d: {  	_ =	shalt  }
0x7e: {  	_ =	shalt  }
0x7f: {  	_ =	shalt  }
0x80: {  	_ =	shalt  }
0x81: {  	_ =	shalt  }
0x82: {  	_ =	shalt  }
0x83: {  	_ =	shalt  }
0x84: {  	_ =	shalt  }
0x85: {  	_ =	shalt  }
0x86: {  	_ =	shalt  }
0x87: {  	_ =	shalt  }
.Lfunc_end0:
.L_simem_size_0:
called_computation.1_lowered:
.L_overlay_start_0:
0x88: {  	s2 =	sld [smem:$0x3FD9]  }
0x89: {  	s3 =	sld [smem:$0x3FFE];
	_ =	sdelay $0x1  }
0x8a: {  	s1 =	srdreg.scid  }
0x8b: {  	s0 =	sand.u32 $0x1, s1  }
0x8c: {  	s16 =	sshll.u32 s0, $0xA;
	s2 =	sadd.s32 s3, s2  }
0x8d: {  	s2 =	sadd.s32 s2, s16  }
0x8e: {  	[smem:$0x3FBB] =	sst s2  }
0x8f: {  	_ = 	snop  }
0x90: {  	(tm) =	ssettm $0x1  }
0x91: {  	s17 =	sld [smem:$0x3FFB];
	_ =	sdelay $0x3  }
0x92: {  	_ =	strace s17  }
0x93: {  	s2 =	sld [smem:$0x3FFC];
	_ =	sdelay $0x3  }
0x94: {  	_ =	strace s2  }
0x95: {  	s2 =	sld [smem:$0x3FFD];
	_ =	sdelay $0x3  }
0x96: {  	_ =	strace s2  }
0x97: {  	_ =	strace $0x8FFFFFFF  }
0x98: {  	s18 =	sld [smem:$0x3FDB];
	_ =	sdelay $0x1  }
0x99: {  	s19 =	simm.s32 $_scs_section_size  }
0x9a: {  	s4 =	simm.s32 $_size__tile_overlayer_lowered;
	s5 =	simm.s32 $_tile_overlayer_lowered  }
0x9b: {  	s22 =	simm.s32 $0x1BFF;
	s21 =	sshll.u32 s5, $0x1;
	s2 =	sadd.s32 s19, s18  }
0x9c: {  	s6 =	simm.s32 $0x0;
	s20 =	sshll.u32 s4, $0x1;
	s4 =	sadd.s32 s21, s2  }
0x9d: {  	[timem:s6], [sflag:s22] =	dma.local [hbm:s4], s20  }
0x9e: {  	_ =	swait.ge [sflag:s22], s20  }
0x9f: {  	s3 =	ssub.s32 $0x0, s20;
	[sflag:s22] =	ssyncset.done $0x0  }
0xa0: {  	[sflag:s22] =	ssyncadd.s32 s3;
	_ =	sdelay $0x1  }
0xa1: {  	s23 =	simm.s32 $0x1B8B  }
0xa2: {  	_ =	swait.ge [sflag:s23], $0x1  }
0xa3: {  	[sflag:s23] =	ssyncset.done $0x0  }
0xa4: {  	s25 =	simm.s32 $0x1B8E;
	s24 =	sld [smem:$0x3FFE];
	[sflag:s23] =	ssyncadd.s32 $0xFFFFFFFF  }
0xa5: {  	s26 =	simm.s32 $execute0_lowered;
	[smem:$0x3FD2] =	sst s25  }
0xa6: {  	s4 =	sshll.u32 s26, $0x1;
	_ =	strace $0x80000049;
	[dreg:$0x1] =	wrdreg $0xFFFFFFFF  }
0xa7: {  	s28 =	simm.s32 $_size_execute0_lowered;
	s2 =	sadd.s32 s2, s4;
	[dreg:$0x0] =	wrdreg $0x0  }
0xa8: {  	s4 =	sshll.u32 s28, $0x1;
	[dreg:$0x2] =	wrdreg s2  }
0xa9: {  	[dreg:$0x3] =	wrdreg s4  }
0xaa: {  	[dreg:$0x4] =	wrdreg $0xC0  }
0xab: {  	_ =	task [dreg:s6], $0x5FFFF  }
0xac: {  	[dreg:$0x1] =	wrdreg $0xFFFFFFFF  }
0xad: {  	[dreg:$0x0] =	wrdreg $0x60  }
0xae: {  	[dreg:$0x2] =	wrdreg s24  }
0xaf: {  	[dreg:$0x3] =	wrdreg $0x0  }
0xb0: {  	[dreg:$0x4] =	wrdreg $0x9  }
0xb1: {  	_ =	task.clear_ibuf [dreg:s6], $0x5FFFF;
	_ =	strace $0x90000049  }
0xb2: {  	s29 =	simm.s32 $0x9;
	_ =	strace $0x8000004B  }
0xb3: {  	_ =	swait.ge [sflag:s29], $0x1  }
0xb4: {  	[sflag:s29] =	ssyncadd.s32 $0xFFFFFFFF  }
0xb5: {  	_ =	strace $0x9000004B  }
0xb6: {  	_ =	sfence  }
0xb7: {  	s30 =	sld [smem:$0x0];
	_ =	sdelay $0x2  }
0xb8: {  	s31 =	sshll.u32 s1, $0xD;
	s1 =	sshrl.u32 s1, $0x2  }
0xb9: {  	s3 =	sand.u32 $0x4000, s31;
	s1 =	sadd.s32 s1, s30  }
0xba: {  	s0 =	sor.u32 s3, s0;
	s1 =	sshll.u32 s1, $0x11  }
0xbb: {  	s0 =	sor.u32 s1, s0  }
0xbc: {  	s0 =	sadd.s32 $0x8F2B, s0  }
0xbd: {  	[sflag:s0] =	ssyncadd.remote.s32 $0x1  }
0xbe: {  	_ =	sfence.sel $0xFFFF  }
0xbf: {  	[dreg:$0x0] =	wrdreg $0xFFFFFFFF;
	(pc) =	sbr.abs _section_cstart, $3  }
0xc0: {  	[dreg:$0x1] =	wrdreg $0xFFFFFFFF  }
0xc1: {  	_ =	task.clear_ibuf [dreg:s6], $0x2FFFF;
	_ =	strace $0x9FFFFFFF  }
0xc2: {  	(tm) =	ssettm $0x7FFFFFFF  }
0xc3: {  	_ =	shalt  }
tec
execute0_lowered:
.L_overlay_start_1:
0x0: {  	(tag) =	ssettag $0x1  }
0x1: {  	s8 =	rddreg [dreg:$0x0]  }
0x2: {  	s1 =	rddreg [dreg:$0x1]  }
0x3: {  	s0 =	rddreg [dreg:$0x2];
	s3 =	simm.s32 $0x0;
	s2 =	srdreg.scid  }
0x4: {  	s14 =	simm.s32 $0x13880;
	s15 =	simm.s32 $0x14880;
	s16 =	simm.s32 $0x50  }
0x5: {  	s17 =	simm.s32 $0x15880;
	s18 =	simm.s32 $0x1;
	[smem:$0x7FF] =	sst s3  }
0x6: {  	s9 =	sand.u32 $0x1, s2;
	s2 =	stileid.u32;
	s4 =	sadd.s32 $0x42000, s8  }
0x7: {  	s5 =	sadd.s32 $0x6A400, s8;
	s6 =	sadd.s32 $0x4600, s8;
	s10 =	smul.u32 $0x13C000, s9  }
0x8: {  	s7 =	sadd.s32 $0x18600, s8;
	_ =	strace $0x8000004A;
	s11 =	smul.u32 $0x13C00, s2  }
0x9: {  	s28 =	ssub.s32 $0x2, s9;
	s13 =	smul.u32 $0x4E200, s2;
	s29 =	sshll.u32 s2, $0x1  }
0xa: {  	s31 =	sshll.u32 s2, $0x6;
	s12 =	sshrl.u32 s28, $0x1;
	s9 =	sor.u32 s9, s29  }
0xb: {  	s10 =	sadd.s32 s11, s10;
	s11 =	ssub.s32 s28, s12;
	s30 =	sshrl.u32 s13, $0x2  }
0xc: {  	s9 =	smul.u32 $0x5, s9;
	s10 =	sshrl.u32 s10, $0x3;
	s13 =	sadd.s32 s30, s1  }
0xd: {  	s11 =	smax.u32 s11, $0x1;
	s10 =	sadd.s32 s10, s8;
	s8 =	sor.u32 $0x1C02, s31  }
0xe: {  	s12 =	sshrl.u32 s13, $0x3;
	s13 =	simm.s32 $0x2;
	s10 =	sadd.s32 $0x7E400, s10  }
.LBB2_1:
0xf: {  	[spmem:s12], [sflag:s8] =	dma.local [hbm:s7], $0x2710  }
0x10: {  	_ =	swait.ge [sflag:s13], $0x2710  }
0x11: {  	[sflag:s13] =	ssyncset.done $0x0  }
0x12: {  	[sflag:s13] =	ssyncadd.s32 $0xFFFFD8F0  }
0x13: {  	s19 =	simm.s32 $0x0;
	[bflag:$0x0] =	sbarrier.arrive $0xFFFF  }
.LBB2_2:
0x14: {  	s20 =	sadd.s32 s9, s19  }
0x15: {  	s20 =	sshll.u32 s20, $0x9  }
0x16: {  	s22 =	simm.s32 $0x0;
	s21 =	sadd.s32 s5, s20  }
0x17: {  	[tilespmem:s14], [sflag:$0x2] =	stream.linear.gather [hbm4b:s21+s22], $0xC80, $0x38;
	[tilespmem:$0x18080] =	vst v63  }
0x18: {  	_ =	swait.ge [sflag:s13], $0xC80  }
0x19: {  	[sflag:s13] =	ssyncset.done $0x0  }
0x1a: {  	s20 =	sadd.s32 s6, s20;
	[sflag:s13] =	ssyncadd.s32 $0xFFFFF380  }
0x1b: {  	[tilespmem:s15], [sflag:$0x2] =	stream.linear.gather [hbm4b:s20+s22], $0xC80, $0x38;
	[tilespmem:$0x18080] =	vst v63  }
0x1c: {  	_ =	swait.ge [sflag:s13], $0xC80  }
0x1d: {  	[sflag:s13] =	ssyncset.done $0x0  }
0x1e: {  	s30 =	simm.s32 $0x13880;
	[sflag:s13] =	ssyncadd.s32 $0xFFFFF380  }
0x1f: {  	[tilespmem:s17], [sflag:$0x1] =	stream.indirect.gather [hbm4b:s4+s16], $0x80, s30, s16, $0xb8;
	[tilespmem:$0x18080] =	vst v63  }
0x20: {  	_ =	swait.ge [sflag:s18], $0x2800  }
0x21: {  	[sflag:s18] =	ssyncset.done $0x0  }
0x22: {  	s31 =	simm.s32 $0x14880;
	[sflag:s18] =	ssyncadd.s32 $0xFFFFD800  }
0x23: {  	[spmem:s1] =	stream.indirect.scatter.add.f32 [tilespmem:s17], [sflag:$0x2], $0x80, s31, s16, $0xb8;
	[tilespmem:$0x18080] =	vst v63  }
0x24: {  	_ =	swait.ge [sflag:s13], $0x2800  }
0x25: {  	s21 =	simm.s32 $0x400;
	s20 =	simm.s32 $0x80;
	[sflag:s13] =	ssyncset.done $0x0  }
.LBB2_3:
0x26: {  	s22 =	sadd.s32 $0x13880, s20  }
0x27: {  	[sflag:s13] =	ssyncadd.s32 $0xFFFFD800;
	s23 =	smov.u32 s21;
	s24 =	sadd.s32 $0x200, s21  }
0x28: {  	[tilespmem:s17], [sflag:$0x1] =	stream.indirect.gather [hbm4b:s4+s16], $0x80, s22, s16, $0xb8;
	[tilespmem:$0x18080] =	vst v63  }
0x29: {  	p0 =	sne.s32 s21, $0x3000;
	_ =	swait.ge [sflag:s18], $0x2800  }
.Ltmp0:
0x2a: {  	[sflag:s18] =	ssyncset.done $0x0;
	(pc) =	sbr.rel @p0 .LBB2_3-.Ltmp0, $4  }
0x2b: {  	s20 =	sadd.s32 $0x14880, s20;
	[sflag:s18] =	ssyncadd.s32 $0xFFFFD800  }
0x2c: {  	[spmem:s1] =	stream.indirect.scatter.add.f32 [tilespmem:s17], [sflag:$0x2], $0x80, s20, s16, $0xb8;
	[tilespmem:$0x18080] =	vst v63  }
0x2d: {  	_ =	swait.ge [sflag:s13], $0x2800  }
0x2e: {  	s21 =	smov.u32 s24;
	s20 =	sshra.s32 s23, $0x2;
	[sflag:s13] =	ssyncset.done $0x0  }
0x2f: {  	s21 =	sadd.s32 $0x13880, s20;
	[sflag:s13] =	ssyncadd.s32 $0xFFFFD800  }
0x30: {  	[tilespmem:s17], [sflag:$0x1] =	stream.indirect.gather [hbm4b:s4+s16], $0x80, s21, s16, $0xb8;
	[tilespmem:$0x18080] =	vst v63  }
0x31: {  	s19 =	sadd.s32 $0x1, s19;
	_ =	swait.ge [sflag:s18], $0x2800  }
0x32: {  	p0 =	sne.s32 s19, $0x5;
	[sflag:s18] =	ssyncset.done $0x0  }
.Ltmp1:
0x33: {  	s31 =	sadd.s32 $0x14880, s20;
	[sflag:s18] =	ssyncadd.s32 $0xFFFFD800;
	(pc) =	sbr.rel @p0 .LBB2_2-.Ltmp1, $4  }
0x34: {  	[spmem:s1] =	stream.indirect.scatter.add.f32 [tilespmem:s17], [sflag:$0x2], $0x80, s31, s16, $0xb8;
	[tilespmem:$0x18080] =	vst v63  }
0x35: {  	_ =	swait.ge [sflag:s13], $0x2800  }
0x36: {  	[sflag:s13] =	ssyncset.done $0x0  }
0x37: {  	[sflag:s13] =	ssyncadd.s32 $0xFFFFD800  }
0x38: {  	s3 =	sadd.s32 $0x1, s3  }
0x39: {  	p0 =	sne.s32 s3, s11  }
.Ltmp2:
0x3a: {  	[bflag:$0x0] =	sbarrier.arrive $0xFFFF;
	(pc) =	sbr.rel @p0 .LBB2_1-.Ltmp2, $4  }
0x3b: {  	[hbm:s10], [sflag:s8] =	dma.local [spmem:s12], $0x2710  }
0x3c: {  	_ =	swait.ge [sflag:s13], $0x2710  }
0x3d: {  	[sflag:s13] =	ssyncset.done $0x0  }
0x3e: {  	[sflag:s13] =	ssyncadd.s32 $0xFFFFD8F0  }
0x3f: {  	_ =	sfence.sel $0x180000  }
0x40: {  	[bflag:$0x0] =	sbarrier.arrive $0xFFFF  }
0x41: {  	p0 =	sne.s32 s2, $0x0;
	_ =	strace $0x9000004A  }
0x42: {  	s0 =	sadd.s32 @!p0 $0x100000, s0;
	[bflag:$0x2] =	sbarrier.arrive $0xFFFF  }
0x43: {  	[sflag:s0] =	ssyncadd.tile.s32 @!p0 $0x1;
	_ =	shalt  }
.Lfunc_end2:
_tile_overlayer_lowered:
.L_overlay_start_2:
0x44: {  	(tag) =	ssettag $0x2  }
0x45: {  	s0 =	rddreg [dreg:$0x0];
	s2 =	stileid.u32  }
0x46: {  	s1 =	rddreg [dreg:$0x1];
	p0 =	sne.s32 s2, $0x0  }
0x47: {  	s3 =	rddreg [dreg:$0x2];
	[bflag:$0x3] =	sbarrier.arrive $0xFFFF;
	s2 =	simm.s32 @!p0 $0x1C02  }
0x48: {  	[timem:s3], [sflag:s2] =	dma.local @!p0 [hbm:s0], s1  }
0x49: {  	s0 =	simm.s32 @!p0 $0x2  }
0x4a: {  	_ =	swait.ge @!p0 [sflag:s0], s1  }
0x4b: {  	s1 =	ssub.s32 @!p0 $0x0, s1;
	[sflag:s0] =	ssyncset.done @!p0 $0x0  }
0x4c: {  	[sflag:s0] =	ssyncadd.s32 @!p0 s1  }
0x4d: {  	[bflag:$0x3] =	sbarrier.arrive $0xFFFF  }
0x4e: {  	_ =	shalt  }

// kernel: kernel.14.cloned.1.call-start
scs
__scs_entry_jumppad:
0x0: {  	(pc) =	sbr.rel $0x88, $3  }
0x1: {  	(tag) =	ssettag $0x0;
	lr =	simm.s32 $0x1  }
0x2: {  	[smem:$0x3F94] =	sst lr;
	_ =	strace $0xD0000000  }
0x3: {  	_ = 	snop  }
0x4: {  	_ = 	snop  }
0x5: {  	_ = 	snop  }
0x6: {  	_ = 	snop  }
0x7: {  	_ = 	snop  }
__scs_overlays_trampoline_lowered:
0x8: {  	[smem:$0x3FA3] =	sst s0  }
0x9: {  	[smem:$0x3FA4] =	sst s1  }
0xa: {  	[smem:$0x3FA5] =	sst s2  }
0xb: {  	[smem:$0x3FA6] =	sst s3  }
0xc: {  	[smem:$0x3FA7] =	sst s4  }
0xd: {  	[smem:$0x3FA8] =	sst s5  }
0xe: {  	[smem:$0x3FA9] =	sst s6  }
0xf: {  	[smem:$0x3FAA] =	sst s7  }
0x10: {  	[smem:$0x3FAB] =	sst s8  }
0x11: {  	[smem:$0x3FAC] =	sst s9;
	s0 =	simm.s32 @!p0 $0x0  }
0x12: {  	s1 =	sld [smem:$0x3F92];
	s0 =	simm.s32 @p0 $0x1  }
0x13: {  	[smem:$0x3FAD] =	sst s0;
	s0 =	simm.s32 @!p1 $0x0  }
0x14: {  	s2 =	sld [smem:$0x3F91];
	s0 =	simm.s32 @p1 $0x1  }
0x15: {  	[smem:$0x3FAE] =	sst s0;
	s0 =	simm.s32 @!p2 $0x0  }
0x16: {  	s3 =	sld [smem:$0x3FDB];
	s0 =	simm.s32 @p2 $0x1  }
0x17: {  	s4 =	simm.s32 $0x1BF5;
	[smem:$0x3FB0] =	sst s0  }
0x18: {  	s0 =	sld [smem:$0x3F93];
	_ =	swait.ge [sflag:s4], $0x0  }
0x19: {  	s7 =	sld [smem:$0x3F94]  }
0x1a: {  	s8 =	sadd.s32 $0xFFFFE003, lr  }
0x1b: {  	s9 =	sadd.s32 $0xFFFFFEF7, lr;
	s5 =	simm.s32 $0xFFFFFFFF;
	p2 =	slt.u32 s8, $0xFFFFF086  }
0x1c: {  	p1 =	slt.u32 s9, $0xF7A;
	s5 =	simm.s32 @!p2 $0x0  }
0x1d: {  	s5 =	simm.s32 @p1 $0x1;
	p0 =	seq.s32 s7, s2  }
0x1e: {  	s7 =	smul.u32 @!p0 $0xF7A, s2;
	p2 =	seq.s32 @!p0 s5, $0x0  }
0x1f: {  	s9 =	smul.u32 $0xF7A, s1;
	s8 =	simm.s32 @!p0 $0x1BF5;
	p2 =	por !p2, p0  }
0x20: {  	[sflag:s8] =	ssyncset.s32 @!p0 $0xFFFFF086;
	s6 =	sadd.s32 @!p0 s3, s7;
	s7 =	simm.s32 @!p0 $0x108  }
0x21: {  	s3 =	sadd.s32 s3, s9;
	s6 =	sadd.s32 @!p0 $0x88, s6;
	s7 =	simm.s32 @p2 $0x1082  }
0x22: {  	[simem:s7], [sflag:s8] =	dma.local @!p0 [hbm:s6], $0xF7A  }
0x23: {  	s9 =	sor.u32 $0xD0000000, s2;
	s6 =	simm.s32 $0x108;
	_ =	swait.ge @!p0 [sflag:s8], $0x0  }
0x24: {  	s3 =	sadd.s32 $0x88, s3;
	s6 =	simm.s32 @!p1 $0x1082;
	[sflag:s4] =	ssyncset.s32 $0xFFFFF086  }
0x25: {  	[simem:s6], [sflag:s4] =	dma.local [hbm:s3], $0xF7A  }
0x26: {  	[smem:$0x3F94] =	sst s1;
	(tag) =	ssettag s2;
	_ =	strace s9  }
0x27: {  	s1 =	sld [smem:$0x3FA4]  }
0x28: {  	s2 =	sld [smem:$0x3FA5]  }
0x29: {  	s4 =	sld [smem:$0x3FA7]  }
0x2a: {  	p0 =	seq.s32 s5, $0x0;
	s5 =	sld [smem:$0x3FA8]  }
0x2b: {  	s6 =	sld [smem:$0x3FA9]  }
0x2c: {  	s7 =	sld [smem:$0x3FAA]  }
0x2d: {  	s3 =	simm.s32 $0x108;
	s8 =	sld [smem:$0x3FAB]  }
0x2e: {  	s3 =	simm.s32 @!p0 $0x1082;
	s9 =	sld [smem:$0x3FAC]  }
0x2f: {  	lr =	sadd.s32 s0, s3;
	s0 =	sld [smem:$0x3FA3]  }
0x30: {  	s3 =	sld [smem:$0x3FA6]  }
0x31: {  	[smem:$0x3FAF] =	sst s10  }
0x32: {  	s10 =	sld [smem:$0x3FAD];
	_ =	sdelay $0x3  }
0x33: {  	p0 =	seq.s32 s10, $0x1;
	s10 =	sld [smem:$0x3FAF];
	_ =	sdelay $0x3  }
0x34: {  	[smem:$0x3FAF] =	sst s10  }
0x35: {  	s10 =	sld [smem:$0x3FAE];
	_ =	sdelay $0x3  }
0x36: {  	p1 =	seq.s32 s10, $0x1;
	s10 =	sld [smem:$0x3FAF];
	_ =	sdelay $0x3  }
0x37: {  	[smem:$0x3FAF] =	sst s10  }
0x38: {  	s10 =	sld [smem:$0x3FB0]  }
0x39: {  	_ = 	snop;
	(pc) =	sbr.ind lr, $3  }
0x3a: {  	_ = 	snop  }
0x3b: {  	_ = 	snop  }
0x3c: {  	p2 =	seq.s32 s10, $0x1;
	s10 =	sld [smem:$0x3FAF]  }
0x3d: {  	_ =	shalt  }
0x3e: {  	_ =	shalt  }
0x3f: {  	_ =	shalt  }
0x40: {  	_ =	shalt  }
0x41: {  	_ =	shalt  }
0x42: {  	_ =	shalt  }
0x43: {  	_ =	shalt  }
0x44: {  	_ =	shalt  }
0x45: {  	_ =	shalt  }
0x46: {  	_ =	shalt  }
0x47: {  	_ =	shalt  }
0x48: {  	_ =	shalt  }
0x49: {  	_ =	shalt  }
0x4a: {  	_ =	shalt  }
0x4b: {  	_ =	shalt  }
0x4c: {  	_ =	shalt  }
0x4d: {  	_ =	shalt  }
0x4e: {  	_ =	shalt  }
0x4f: {  	_ =	shalt  }
0x50: {  	_ =	shalt  }
0x51: {  	_ =	shalt  }
0x52: {  	_ =	shalt  }
0x53: {  	_ =	shalt  }
0x54: {  	_ =	shalt  }
0x55: {  	_ =	shalt  }
0x56: {  	_ =	shalt  }
0x57: {  	_ =	shalt  }
0x58: {  	_ =	shalt  }
0x59: {  	_ =	shalt  }
0x5a: {  	_ =	shalt  }
0x5b: {  	_ =	shalt  }
0x5c: {  	_ =	shalt  }
0x5d: {  	_ =	shalt  }
0x5e: {  	_ =	shalt  }
0x5f: {  	_ =	shalt  }
0x60: {  	_ =	shalt  }
0x61: {  	_ =	shalt  }
0x62: {  	_ =	shalt  }
0x63: {  	_ =	shalt  }
0x64: {  	_ =	shalt  }
0x65: {  	_ =	shalt  }
0x66: {  	_ =	shalt  }
0x67: {  	_ =	shalt  }
0x68: {  	_ =	shalt  }
0x69: {  	_ =	shalt  }
0x6a: {  	_ =	shalt  }
0x6b: {  	_ =	shalt  }
0x6c: {  	_ =	shalt  }
0x6d: {  	_ =	shalt  }
0x6e: {  	_ =	shalt  }
0x6f: {  	_ =	shalt  }
0x70: {  	_ =	shalt  }
0x71: {  	_ =	shalt  }
0x72: {  	_ =	shalt  }
0x73: {  	_ =	shalt  }
0x74: {  	_ =	shalt  }
0x75: {  	_ =	shalt  }
0x76: {  	_ =	shalt  }
0x77: {  	_ =	shalt  }
0x78: {  	_ =	shalt  }
0x79: {  	_ =	shalt  }
0x7a: {  	_ =	shalt  }
0x7b: {  	_ =	shalt  }
0x7c: {  	_ =	shalt  }
0x7d: {  	_ =	shalt  }
0x7e: {  	_ =	shalt  }
0x7f: {  	_ =	shalt  }
0x80: {  	_ =	shalt  }
0x81: {  	_ =	shalt  }
0x82: {  	_ =	shalt  }
0x83: {  	_ =	shalt  }
0x84: {  	_ =	shalt  }
0x85: {  	_ =	shalt  }
0x86: {  	_ =	shalt  }
0x87: {  	_ =	shalt  }
.Lfunc_end0:
.L_simem_size_0:
called_computation.2_lowered:
.L_overlay_start_0:
0x88: {  	s2 =	sld [smem:$0x3FD9]  }
0x89: {  	s3 =	sld [smem:$0x3FFE];
	_ =	sdelay $0x1  }
0x8a: {  	s1 =	srdreg.scid  }
0x8b: {  	s0 =	sand.u32 $0x1, s1  }
0x8c: {  	s16 =	sshll.u32 s0, $0xA;
	s2 =	sadd.s32 s3, s2  }
0x8d: {  	s2 =	sadd.s32 s2, s16  }
0x8e: {  	[smem:$0x3FBB] =	sst s2  }
0x8f: {  	_ = 	snop  }
0x90: {  	(tm) =	ssettm $0x1  }
0x91: {  	s17 =	sld [smem:$0x3FFB];
	_ =	sdelay $0x3  }
0x92: {  	_ =	strace s17  }
0x93: {  	s2 =	sld [smem:$0x3FFC];
	_ =	sdelay $0x3  }
0x94: {  	_ =	strace s2  }
0x95: {  	s2 =	sld [smem:$0x3FFD];
	_ =	sdelay $0x3  }
0x96: {  	_ =	strace s2  }
0x97: {  	_ =	strace $0x8FFFFFFF  }
0x98: {  	s18 =	sld [smem:$0x3FDB];
	_ =	sdelay $0x1  }
0x99: {  	s19 =	simm.s32 $_scs_section_size  }
0x9a: {  	s4 =	simm.s32 $_size__tile_overlayer_lowered;
	s5 =	simm.s32 $_tile_overlayer_lowered  }
0x9b: {  	s22 =	simm.s32 $0x1BFF;
	s21 =	sshll.u32 s5, $0x1;
	s2 =	sadd.s32 s19, s18  }
0x9c: {  	s6 =	simm.s32 $0x0;
	s20 =	sshll.u32 s4, $0x1;
	s4 =	sadd.s32 s21, s2  }
0x9d: {  	[timem:s6], [sflag:s22] =	dma.local [hbm:s4], s20  }
0x9e: {  	_ =	swait.ge [sflag:s22], s20  }
0x9f: {  	s3 =	ssub.s32 $0x0, s20;
	[sflag:s22] =	ssyncset.done $0x0  }
0xa0: {  	[sflag:s22] =	ssyncadd.s32 s3;
	_ =	sdelay $0x1  }
0xa1: {  	s23 =	simm.s32 $0x1B8B  }
0xa2: {  	_ =	swait.ge [sflag:s23], $0x1  }
0xa3: {  	[sflag:s23] =	ssyncset.done $0x0  }
0xa4: {  	s25 =	simm.s32 $0x1B8E;
	s24 =	sld [smem:$0x3FFE];
	[sflag:s23] =	ssyncadd.s32 $0xFFFFFFFF  }
0xa5: {  	s26 =	simm.s32 $execute0_lowered;
	[smem:$0x3FD2] =	sst s25  }
0xa6: {  	s4 =	sshll.u32 s26, $0x1;
	_ =	strace $0x8000004C;
	[dreg:$0x1] =	wrdreg $0xFFFFFFFF  }
0xa7: {  	s28 =	simm.s32 $_size_execute0_lowered;
	s2 =	sadd.s32 s2, s4;
	[dreg:$0x0] =	wrdreg $0x0  }
0xa8: {  	s4 =	sshll.u32 s28, $0x1;
	[dreg:$0x2] =	wrdreg s2  }
0xa9: {  	[dreg:$0x3] =	wrdreg s4  }
0xaa: {  	[dreg:$0x4] =	wrdreg $0xC0  }
0xab: {  	_ =	task [dreg:s6], $0x5FFFF  }
0xac: {  	[dreg:$0x1] =	wrdreg $0xFFFFFFFF  }
0xad: {  	[dreg:$0x0] =	wrdreg $0x60  }
0xae: {  	[dreg:$0x2] =	wrdreg s24  }
0xaf: {  	[dreg:$0x3] =	wrdreg $0x0  }
0xb0: {  	[dreg:$0x4] =	wrdreg $0x9  }
0xb1: {  	_ =	task.clear_ibuf [dreg:s6], $0x5FFFF;
	_ =	strace $0x9000004C  }
0xb2: {  	s29 =	simm.s32 $0x9;
	_ =	strace $0x8000004E  }
0xb3: {  	_ =	swait.ge [sflag:s29], $0x1  }
0xb4: {  	[sflag:s29] =	ssyncadd.s32 $0xFFFFFFFF  }
0xb5: {  	_ =	strace $0x9000004E  }
0xb6: {  	_ =	sfence  }
0xb7: {  	s30 =	sld [smem:$0x0];
	_ =	sdelay $0x2  }
0xb8: {  	s31 =	sshll.u32 s1, $0xD;
	s1 =	sshrl.u32 s1, $0x2  }
0xb9: {  	s3 =	sand.u32 $0x4000, s31;
	s1 =	sadd.s32 s1, s30  }
0xba: {  	s0 =	sor.u32 s3, s0;
	s1 =	sshll.u32 s1, $0x11  }
0xbb: {  	s0 =	sor.u32 s1, s0  }
0xbc: {  	s0 =	sadd.s32 $0x8F2B, s0  }
0xbd: {  	[sflag:s0] =	ssyncadd.remote.s32 $0x1  }
0xbe: {  	_ =	sfence.sel $0xFFFF  }
0xbf: {  	[dreg:$0x0] =	wrdreg $0xFFFFFFFF;
	(pc) =	sbr.abs _section_cstart, $3  }
0xc0: {  	[dreg:$0x1] =	wrdreg $0xFFFFFFFF  }
0xc1: {  	_ =	task.clear_ibuf [dreg:s6], $0x2FFFF;
	_ =	strace $0x9FFFFFFF  }
0xc2: {  	(tm) =	ssettm $0x7FFFFFFF  }
0xc3: {  	_ =	shalt  }
tec
execute0_lowered:
.L_overlay_start_1:
0x0: {  	(tag) =	ssettag $0x1  }
0x1: {  	s8 =	rddreg [dreg:$0x0]  }
0x2: {  	s1 =	rddreg [dreg:$0x1]  }
0x3: {  	s0 =	rddreg [dreg:$0x2];
	s3 =	simm.s32 $0x0;
	s2 =	srdreg.scid  }
0x4: {  	s14 =	simm.s32 $0x13880;
	s15 =	simm.s32 $0x14880;
	s16 =	simm.s32 $0x50  }
0x5: {  	s17 =	simm.s32 $0x15880;
	s18 =	simm.s32 $0x1;
	[smem:$0x7FF] =	sst s3  }
0x6: {  	s9 =	sand.u32 $0x1, s2;
	s2 =	stileid.u32;
	s4 =	sadd.s32 $0x42000, s8  }
0x7: {  	s5 =	sadd.s32 $0x6A400, s8;
	s6 =	sadd.s32 $0x4600, s8;
	s10 =	smul.u32 $0x13C000, s9  }
0x8: {  	s7 =	sadd.s32 $0x18600, s8;
	_ =	strace $0x8000004D;
	s11 =	smul.u32 $0x13C00, s2  }
0x9: {  	s28 =	ssub.s32 $0x2, s9;
	s13 =	smul.u32 $0x4E200, s2;
	s29 =	sshll.u32 s2, $0x1  }
0xa: {  	s31 =	sshll.u32 s2, $0x6;
	s12 =	sshrl.u32 s28, $0x1;
	s9 =	sor.u32 s9, s29  }
0xb: {  	s10 =	sadd.s32 s11, s10;
	s11 =	ssub.s32 s28, s12;
	s30 =	sshrl.u32 s13, $0x2  }
0xc: {  	s9 =	smul.u32 $0x5, s9;
	s10 =	sshrl.u32 s10, $0x3;
	s13 =	sadd.s32 s30, s1  }
0xd: {  	s11 =	smax.u32 s11, $0x1;
	s10 =	sadd.s32 s10, s8;
	s8 =	sor.u32 $0x1C02, s31  }
0xe: {  	s12 =	sshrl.u32 s13, $0x3;
	s13 =	simm.s32 $0x2;
	s10 =	sadd.s32 $0x7E400, s10  }
.LBB2_1:
0xf: {  	[spmem:s12], [sflag:s8] =	dma.local [hbm:s7], $0x2710  }
0x10: {  	_ =	swait.ge [sflag:s13], $0x2710  }
0x11: {  	[sflag:s13] =	ssyncset.done $0x0  }
0x12: {  	[sflag:s13] =	ssyncadd.s32 $0xFFFFD8F0  }
0x13: {  	s19 =	simm.s32 $0x0;
	[bflag:$0x0] =	sbarrier.arrive $0xFFFF  }
.LBB2_2:
0x14: {  	s20 =	sadd.s32 s9, s19  }
0x15: {  	s20 =	sshll.u32 s20, $0x9  }
0x16: {  	s22 =	simm.s32 $0x0;
	s21 =	sadd.s32 s5, s20  }
0x17: {  	[tilespmem:s14], [sflag:$0x2] =	stream.linear.gather [hbm4b:s21+s22], $0xC80, $0x38;
	[tilespmem:$0x18080] =	vst v63  }
0x18: {  	_ =	swait.ge [sflag:s13], $0xC80  }
0x19: {  	[sflag:s13] =	ssyncset.done $0x0  }
0x1a: {  	s20 =	sadd.s32 s6, s20;
	[sflag:s13] =	ssyncadd.s32 $0xFFFFF380  }
0x1b: {  	[tilespmem:s15], [sflag:$0x2] =	stream.linear.gather [hbm4b:s20+s22], $0xC80, $0x38;
	[tilespmem:$0x18080] =	vst v63  }
0x1c: {  	_ =	swait.ge [sflag:s13], $0xC80  }
0x1d: {  	[sflag:s13] =	ssyncset.done $0x0  }
0x1e: {  	s30 =	simm.s32 $0x13880;
	[sflag:s13] =	ssyncadd.s32 $0xFFFFF380  }
0x1f: {  	[tilespmem:s17], [sflag:$0x1] =	stream.indirect.gather [hbm4b:s4+s16], $0x80, s30, s16, $0xb8;
	[tilespmem:$0x18080] =	vst v63  }
0x20: {  	_ =	swait.ge [sflag:s18], $0x2800  }
0x21: {  	[sflag:s18] =	ssyncset.done $0x0  }
0x22: {  	s31 =	simm.s32 $0x14880;
	[sflag:s18] =	ssyncadd.s32 $0xFFFFD800  }
0x23: {  	[spmem:s1] =	stream.indirect.scatter.add.f32 [tilespmem:s17], [sflag:$0x2], $0x80, s31, s16, $0xb8;
	[tilespmem:$0x18080] =	vst v63  }
0x24: {  	_ =	swait.ge [sflag:s13], $0x2800  }
0x25: {  	s21 =	simm.s32 $0x400;
	s20 =	simm.s32 $0x80;
	[sflag:s13] =	ssyncset.done $0x0  }
.LBB2_3:
0x26: {  	s22 =	sadd.s32 $0x13880, s20  }
0x27: {  	[sflag:s13] =	ssyncadd.s32 $0xFFFFD800;
	s23 =	smov.u32 s21;
	s24 =	sadd.s32 $0x200, s21  }
0x28: {  	[tilespmem:s17], [sflag:$0x1] =	stream.indirect.gather [hbm4b:s4+s16], $0x80, s22, s16, $0xb8;
	[tilespmem:$0x18080] =	vst v63  }
0x29: {  	p0 =	sne.s32 s21, $0x3000;
	_ =	swait.ge [sflag:s18], $0x2800  }
.Ltmp0:
0x2a: {  	[sflag:s18] =	ssyncset.done $0x0;
	(pc) =	sbr.rel @p0 .LBB2_3-.Ltmp0, $4  }
0x2b: {  	s20 =	sadd.s32 $0x14880, s20;
	[sflag:s18] =	ssyncadd.s32 $0xFFFFD800  }
0x2c: {  	[spmem:s1] =	stream.indirect.scatter.add.f32 [tilespmem:s17], [sflag:$0x2], $0x80, s20, s16, $0xb8;
	[tilespmem:$0x18080] =	vst v63  }
0x2d: {  	_ =	swait.ge [sflag:s13], $0x2800  }
0x2e: {  	s21 =	smov.u32 s24;
	s20 =	sshra.s32 s23, $0x2;
	[sflag:s13] =	ssyncset.done $0x0  }
0x2f: {  	s21 =	sadd.s32 $0x13880, s20;
	[sflag:s13] =	ssyncadd.s32 $0xFFFFD800  }
0x30: {  	[tilespmem:s17], [sflag:$0x1] =	stream.indirect.gather [hbm4b:s4+s16], $0x80, s21, s16, $0xb8;
	[tilespmem:$0x18080] =	vst v63  }
0x31: {  	s19 =	sadd.s32 $0x1, s19;
	_ =	swait.ge [sflag:s18], $0x2800  }
0x32: {  	p0 =	sne.s32 s19, $0x5;
	[sflag:s18] =	ssyncset.done $0x0  }
.Ltmp1:
0x33: {  	s31 =	sadd.s32 $0x14880, s20;
	[sflag:s18] =	ssyncadd.s32 $0xFFFFD800;
	(pc) =	sbr.rel @p0 .LBB2_2-.Ltmp1, $4  }
0x34: {  	[spmem:s1] =	stream.indirect.scatter.add.f32 [tilespmem:s17], [sflag:$0x2], $0x80, s31, s16, $0xb8;
	[tilespmem:$0x18080] =	vst v63  }
0x35: {  	_ =	swait.ge [sflag:s13], $0x2800  }
0x36: {  	[sflag:s13] =	ssyncset.done $0x0  }
0x37: {  	[sflag:s13] =	ssyncadd.s32 $0xFFFFD800  }
0x38: {  	s3 =	sadd.s32 $0x1, s3  }
0x39: {  	p0 =	sne.s32 s3, s11  }
.Ltmp2:
0x3a: {  	[bflag:$0x0] =	sbarrier.arrive $0xFFFF;
	(pc) =	sbr.rel @p0 .LBB2_1-.Ltmp2, $4  }
0x3b: {  	[hbm:s10], [sflag:s8] =	dma.local [spmem:s12], $0x2710  }
0x3c: {  	_ =	swait.ge [sflag:s13], $0x2710  }
0x3d: {  	[sflag:s13] =	ssyncset.done $0x0  }
0x3e: {  	[sflag:s13] =	ssyncadd.s32 $0xFFFFD8F0  }
0x3f: {  	_ =	sfence.sel $0x180000  }
0x40: {  	[bflag:$0x0] =	sbarrier.arrive $0xFFFF  }
0x41: {  	p0 =	sne.s32 s2, $0x0;
	_ =	strace $0x9000004D  }
0x42: {  	s0 =	sadd.s32 @!p0 $0x100000, s0;
	[bflag:$0x2] =	sbarrier.arrive $0xFFFF  }
0x43: {  	[sflag:s0] =	ssyncadd.tile.s32 @!p0 $0x1;
	_ =	shalt  }
.Lfunc_end2:
_tile_overlayer_lowered:
.L_overlay_start_2:
0x44: {  	(tag) =	ssettag $0x2  }
0x45: {  	s0 =	rddreg [dreg:$0x0];
	s2 =	stileid.u32  }
0x46: {  	s1 =	rddreg [dreg:$0x1];
	p0 =	sne.s32 s2, $0x0  }
0x47: {  	s3 =	rddreg [dreg:$0x2];
	[bflag:$0x3] =	sbarrier.arrive $0xFFFF;
	s2 =	simm.s32 @!p0 $0x1C02  }
0x48: {  	[timem:s3], [sflag:s2] =	dma.local @!p0 [hbm:s0], s1  }
0x49: {  	s0 =	simm.s32 @!p0 $0x2  }
0x4a: {  	_ =	swait.ge @!p0 [sflag:s0], s1  }
0x4b: {  	s1 =	ssub.s32 @!p0 $0x0, s1;
	[sflag:s0] =	ssyncset.done @!p0 $0x0  }
0x4c: {  	[sflag:s0] =	ssyncadd.s32 @!p0 s1  }
0x4d: {  	[bflag:$0x3] =	sbarrier.arrive $0xFFFF  }
0x4e: {  	_ =	shalt  }

// kernel: kernel.8.cloned.1.call-start
scs
__scs_entry_jumppad:
0x0: {  	(pc) =	sbr.rel $0x88, $3  }
0x1: {  	(tag) =	ssettag $0x0;
	lr =	simm.s32 $0x1  }
0x2: {  	[smem:$0x3F94] =	sst lr;
	_ =	strace $0xD0000000  }
0x3: {  	_ = 	snop  }
0x4: {  	_ = 	snop  }
0x5: {  	_ = 	snop  }
0x6: {  	_ = 	snop  }
0x7: {  	_ = 	snop  }
__scs_overlays_trampoline_lowered:
0x8: {  	[smem:$0x3FA3] =	sst s0  }
0x9: {  	[smem:$0x3FA4] =	sst s1  }
0xa: {  	[smem:$0x3FA5] =	sst s2  }
0xb: {  	[smem:$0x3FA6] =	sst s3  }
0xc: {  	[smem:$0x3FA7] =	sst s4  }
0xd: {  	[smem:$0x3FA8] =	sst s5  }
0xe: {  	[smem:$0x3FA9] =	sst s6  }
0xf: {  	[smem:$0x3FAA] =	sst s7  }
0x10: {  	[smem:$0x3FAB] =	sst s8  }
0x11: {  	[smem:$0x3FAC] =	sst s9;
	s0 =	simm.s32 @!p0 $0x0  }
0x12: {  	s1 =	sld [smem:$0x3F92];
	s0 =	simm.s32 @p0 $0x1  }
0x13: {  	[smem:$0x3FAD] =	sst s0;
	s0 =	simm.s32 @!p1 $0x0  }
0x14: {  	s2 =	sld [smem:$0x3F91];
	s0 =	simm.s32 @p1 $0x1  }
0x15: {  	[smem:$0x3FAE] =	sst s0;
	s0 =	simm.s32 @!p2 $0x0  }
0x16: {  	s3 =	sld [smem:$0x3FDB];
	s0 =	simm.s32 @p2 $0x1  }
0x17: {  	s4 =	simm.s32 $0x1BF5;
	[smem:$0x3FB0] =	sst s0  }
0x18: {  	s0 =	sld [smem:$0x3F93];
	_ =	swait.ge [sflag:s4], $0x0  }
0x19: {  	s7 =	sld [smem:$0x3F94]  }
0x1a: {  	s8 =	sadd.s32 $0xFFFFE003, lr  }
0x1b: {  	s9 =	sadd.s32 $0xFFFFFEF7, lr;
	s5 =	simm.s32 $0xFFFFFFFF;
	p2 =	slt.u32 s8, $0xFFFFF086  }
0x1c: {  	p1 =	slt.u32 s9, $0xF7A;
	s5 =	simm.s32 @!p2 $0x0  }
0x1d: {  	s5 =	simm.s32 @p1 $0x1;
	p0 =	seq.s32 s7, s2  }
0x1e: {  	s7 =	smul.u32 @!p0 $0xF7A, s2;
	p2 =	seq.s32 @!p0 s5, $0x0  }
0x1f: {  	s9 =	smul.u32 $0xF7A, s1;
	s8 =	simm.s32 @!p0 $0x1BF5;
	p2 =	por !p2, p0  }
0x20: {  	[sflag:s8] =	ssyncset.s32 @!p0 $0xFFFFF086;
	s6 =	sadd.s32 @!p0 s3, s7;
	s7 =	simm.s32 @!p0 $0x108  }
0x21: {  	s3 =	sadd.s32 s3, s9;
	s6 =	sadd.s32 @!p0 $0x88, s6;
	s7 =	simm.s32 @p2 $0x1082  }
0x22: {  	[simem:s7], [sflag:s8] =	dma.local @!p0 [hbm:s6], $0xF7A  }
0x23: {  	s9 =	sor.u32 $0xD0000000, s2;
	s6 =	simm.s32 $0x108;
	_ =	swait.ge @!p0 [sflag:s8], $0x0  }
0x24: {  	s3 =	sadd.s32 $0x88, s3;
	s6 =	simm.s32 @!p1 $0x1082;
	[sflag:s4] =	ssyncset.s32 $0xFFFFF086  }
0x25: {  	[simem:s6], [sflag:s4] =	dma.local [hbm:s3], $0xF7A  }
0x26: {  	[smem:$0x3F94] =	sst s1;
	(tag) =	ssettag s2;
	_ =	strace s9  }
0x27: {  	s1 =	sld [smem:$0x3FA4]  }
0x28: {  	s2 =	sld [smem:$0x3FA5]  }
0x29: {  	s4 =	sld [smem:$0x3FA7]  }
0x2a: {  	p0 =	seq.s32 s5, $0x0;
	s5 =	sld [smem:$0x3FA8]  }
0x2b: {  	s6 =	sld [smem:$0x3FA9]  }
0x2c: {  	s7 =	sld [smem:$0x3FAA]  }
0x2d: {  	s3 =	simm.s32 $0x108;
	s8 =	sld [smem:$0x3FAB]  }
0x2e: {  	s3 =	simm.s32 @!p0 $0x1082;
	s9 =	sld [smem:$0x3FAC]  }
0x2f: {  	lr =	sadd.s32 s0, s3;
	s0 =	sld [smem:$0x3FA3]  }
0x30: {  	s3 =	sld [smem:$0x3FA6]  }
0x31: {  	[smem:$0x3FAF] =	sst s10  }
0x32: {  	s10 =	sld [smem:$0x3FAD];
	_ =	sdelay $0x3  }
0x33: {  	p0 =	seq.s32 s10, $0x1;
	s10 =	sld [smem:$0x3FAF];
	_ =	sdelay $0x3  }
0x34: {  	[smem:$0x3FAF] =	sst s10  }
0x35: {  	s10 =	sld [smem:$0x3FAE];
	_ =	sdelay $0x3  }
0x36: {  	p1 =	seq.s32 s10, $0x1;
	s10 =	sld [smem:$0x3FAF];
	_ =	sdelay $0x3  }
0x37: {  	[smem:$0x3FAF] =	sst s10  }
0x38: {  	s10 =	sld [smem:$0x3FB0]  }
0x39: {  	_ = 	snop;
	(pc) =	sbr.ind lr, $3  }
0x3a: {  	_ = 	snop  }
0x3b: {  	_ = 	snop  }
0x3c: {  	p2 =	seq.s32 s10, $0x1;
	s10 =	sld [smem:$0x3FAF]  }
0x3d: {  	_ =	shalt  }
0x3e: {  	_ =	shalt  }
0x3f: {  	_ =	shalt  }
0x40: {  	_ =	shalt  }
0x41: {  	_ =	shalt  }
0x42: {  	_ =	shalt  }
0x43: {  	_ =	shalt  }
0x44: {  	_ =	shalt  }
0x45: {  	_ =	shalt  }
0x46: {  	_ =	shalt  }
0x47: {  	_ =	shalt  }
0x48: {  	_ =	shalt  }
0x49: {  	_ =	shalt  }
0x4a: {  	_ =	shalt  }
0x4b: {  	_ =	shalt  }
0x4c: {  	_ =	shalt  }
0x4d: {  	_ =	shalt  }
0x4e: {  	_ =	shalt  }
0x4f: {  	_ =	shalt  }
0x50: {  	_ =	shalt  }
0x51: {  	_ =	shalt  }
0x52: {  	_ =	shalt  }
0x53: {  	_ =	shalt  }
0x54: {  	_ =	shalt  }
0x55: {  	_ =	shalt  }
0x56: {  	_ =	shalt  }
0x57: {  	_ =	shalt  }
0x58: {  	_ =	shalt  }
0x59: {  	_ =	shalt  }
0x5a: {  	_ =	shalt  }
0x5b: {  	_ =	shalt  }
0x5c: {  	_ =	shalt  }
0x5d: {  	_ =	shalt  }
0x5e: {  	_ =	shalt  }
0x5f: {  	_ =	shalt  }
0x60: {  	_ =	shalt  }
0x61: {  	_ =	shalt  }
0x62: {  	_ =	shalt  }
0x63: {  	_ =	shalt  }
0x64: {  	_ =	shalt  }
0x65: {  	_ =	shalt  }
0x66: {  	_ =	shalt  }
0x67: {  	_ =	shalt  }
0x68: {  	_ =	shalt  }
0x69: {  	_ =	shalt  }
0x6a: {  	_ =	shalt  }
0x6b: {  	_ =	shalt  }
0x6c: {  	_ =	shalt  }
0x6d: {  	_ =	shalt  }
0x6e: {  	_ =	shalt  }
0x6f: {  	_ =	shalt  }
0x70: {  	_ =	shalt  }
0x71: {  	_ =	shalt  }
0x72: {  	_ =	shalt  }
0x73: {  	_ =	shalt  }
0x74: {  	_ =	shalt  }
0x75: {  	_ =	shalt  }
0x76: {  	_ =	shalt  }
0x77: {  	_ =	shalt  }
0x78: {  	_ =	shalt  }
0x79: {  	_ =	shalt  }
0x7a: {  	_ =	shalt  }
0x7b: {  	_ =	shalt  }
0x7c: {  	_ =	shalt  }
0x7d: {  	_ =	shalt  }
0x7e: {  	_ =	shalt  }
0x7f: {  	_ =	shalt  }
0x80: {  	_ =	shalt  }
0x81: {  	_ =	shalt  }
0x82: {  	_ =	shalt  }
0x83: {  	_ =	shalt  }
0x84: {  	_ =	shalt  }
0x85: {  	_ =	shalt  }
0x86: {  	_ =	shalt  }
0x87: {  	_ =	shalt  }
.Lfunc_end0:
.L_simem_size_0:
called_computation_lowered:
.L_overlay_start_0:
0x88: {  	s2 =	sld [smem:$0x3FD9]  }
0x89: {  	s3 =	sld [smem:$0x3FFE];
	_ =	sdelay $0x1  }
0x8a: {  	s1 =	srdreg.scid  }
0x8b: {  	s0 =	sand.u32 $0x1, s1  }
0x8c: {  	s16 =	sshll.u32 s0, $0xA;
	s2 =	sadd.s32 s3, s2  }
0x8d: {  	s2 =	sadd.s32 s2, s16  }
0x8e: {  	[smem:$0x3FBB] =	sst s2  }
0x8f: {  	_ = 	snop  }
0x90: {  	(tm) =	ssettm $0x1  }
0x91: {  	s17 =	sld [smem:$0x3FFB];
	_ =	sdelay $0x3  }
0x92: {  	_ =	strace s17  }
0x93: {  	s2 =	sld [smem:$0x3FFC];
	_ =	sdelay $0x3  }
0x94: {  	_ =	strace s2  }
0x95: {  	s2 =	sld [smem:$0x3FFD];
	_ =	sdelay $0x3  }
0x96: {  	_ =	strace s2  }
0x97: {  	_ =	strace $0x8FFFFFFF  }
0x98: {  	s18 =	sld [smem:$0x3FDB];
	_ =	sdelay $0x1  }
0x99: {  	s19 =	simm.s32 $_scs_section_size  }
0x9a: {  	s4 =	simm.s32 $_size__tile_overlayer_lowered;
	s5 =	simm.s32 $_tile_overlayer_lowered  }
0x9b: {  	s22 =	simm.s32 $0x1BFF;
	s21 =	sshll.u32 s5, $0x1;
	s2 =	sadd.s32 s19, s18  }
0x9c: {  	s6 =	simm.s32 $0x0;
	s20 =	sshll.u32 s4, $0x1;
	s4 =	sadd.s32 s21, s2  }
0x9d: {  	[timem:s6], [sflag:s22] =	dma.local [hbm:s4], s20  }
0x9e: {  	_ =	swait.ge [sflag:s22], s20  }
0x9f: {  	s3 =	ssub.s32 $0x0, s20;
	[sflag:s22] =	ssyncset.done $0x0  }
0xa0: {  	[sflag:s22] =	ssyncadd.s32 s3;
	_ =	sdelay $0x1  }
0xa1: {  	s23 =	simm.s32 $0x1B8B  }
0xa2: {  	_ =	swait.ge [sflag:s23], $0x1  }
0xa3: {  	[sflag:s23] =	ssyncset.done $0x0  }
0xa4: {  	s25 =	simm.s32 $0x1B8E;
	s24 =	sld [smem:$0x3FFE];
	[sflag:s23] =	ssyncadd.s32 $0xFFFFFFFF  }
0xa5: {  	s26 =	simm.s32 $execute0_lowered;
	[smem:$0x3FD2] =	sst s25  }
0xa6: {  	s4 =	sshll.u32 s26, $0x1;
	_ =	strace $0x80000046;
	[dreg:$0x1] =	wrdreg $0xFFFFFFFF  }
0xa7: {  	s28 =	simm.s32 $_size_execute0_lowered;
	s2 =	sadd.s32 s2, s4;
	[dreg:$0x0] =	wrdreg $0x0  }
0xa8: {  	s4 =	sshll.u32 s28, $0x1;
	[dreg:$0x2] =	wrdreg s2  }
0xa9: {  	[dreg:$0x3] =	wrdreg s4  }
0xaa: {  	[dreg:$0x4] =	wrdreg $0xC0  }
0xab: {  	_ =	task [dreg:s6], $0x5FFFF  }
0xac: {  	[dreg:$0x1] =	wrdreg $0xFFFFFFFF  }
0xad: {  	[dreg:$0x0] =	wrdreg $0x60  }
0xae: {  	[dreg:$0x2] =	wrdreg s24  }
0xaf: {  	[dreg:$0x3] =	wrdreg $0x0  }
0xb0: {  	[dreg:$0x4] =	wrdreg $0x9  }
0xb1: {  	_ =	task.clear_ibuf [dreg:s6], $0x5FFFF;
	_ =	strace $0x90000046  }
0xb2: {  	s29 =	simm.s32 $0x9;
	_ =	strace $0x80000048  }
0xb3: {  	_ =	swait.ge [sflag:s29], $0x1  }
0xb4: {  	[sflag:s29] =	ssyncadd.s32 $0xFFFFFFFF  }
0xb5: {  	_ =	strace $0x90000048  }
0xb6: {  	_ =	sfence  }
0xb7: {  	s30 =	sld [smem:$0x0];
	_ =	sdelay $0x2  }
0xb8: {  	s31 =	sshll.u32 s1, $0xD;
	s1 =	sshrl.u32 s1, $0x2  }
0xb9: {  	s3 =	sand.u32 $0x4000, s31;
	s1 =	sadd.s32 s1, s30  }
0xba: {  	s0 =	sor.u32 s3, s0;
	s1 =	sshll.u32 s1, $0x11  }
0xbb: {  	s0 =	sor.u32 s1, s0  }
0xbc: {  	s0 =	sadd.s32 $0x8F2B, s0  }
0xbd: {  	[sflag:s0] =	ssyncadd.remote.s32 $0x1  }
0xbe: {  	_ =	sfence.sel $0xFFFF  }
0xbf: {  	[dreg:$0x0] =	wrdreg $0xFFFFFFFF;
	(pc) =	sbr.abs _section_cstart, $3  }
0xc0: {  	[dreg:$0x1] =	wrdreg $0xFFFFFFFF  }
0xc1: {  	_ =	task.clear_ibuf [dreg:s6], $0x2FFFF;
	_ =	strace $0x9FFFFFFF  }
0xc2: {  	(tm) =	ssettm $0x7FFFFFFF  }
0xc3: {  	_ =	shalt  }
tec
execute0_lowered:
.L_overlay_start_1:
0x0: {  	(tag) =	ssettag $0x1  }
0x1: {  	s1 =	srdreg.scid;
	s6 =	rddreg [dreg:$0x0]  }
0x2: {  	s0 =	stileid.u32;
	s2 =	rddreg [dreg:$0x1];
	s3 =	simm.s32 $0x0  }
0x3: {  	s15 =	simm.s32 $0x1;
	s16 =	simm.s32 $0x14880;
	s17 =	simm.s32 $0x13880  }
0x4: {  	s18 =	simm.s32 $0x50;
	s19 =	simm.s32 $0x0;
	s5 =	sand.u32 $0x1, s1  }
0x5: {  	s24 =	sshll.u32 s0, $0x1;
	[smem:$0x7FF] =	sst s3;
	s9 =	smul.u32 $0x13C00, s0  }
0x6: {  	s4 =	sadd.s32 $0x1AE00, s6;
	s28 =	smul.u32 $0x4E200, s0;
	s31 =	sshll.u32 s0, $0x6  }
0x7: {  	s1 =	sor.u32 s5, s24;
	s8 =	smul.u32 $0x13C000, s5;
	s26 =	ssub.s32 $0x2, s5  }
0x8: {  	s5 =	sadd.s32 $0x18600, s6;
	s7 =	smul.u32 $0xA00, s1;
	s1 =	rddreg [dreg:$0x2]  }
0x9: {  	_ =	strace $0x80000047;
	s29 =	sshrl.u32 s26, $0x1;
	s30 =	sshrl.u32 s28, $0x2  }
0xa: {  	s25 =	sadd.s32 s9, s8;
	s8 =	ssub.s32 s26, s29;
	s14 =	sadd.s32 s30, s2  }
0xb: {  	s13 =	sadd.s32 s7, s6;
	s7 =	sshrl.u32 s25, $0x3;
	s8 =	smax.u32 s8, $0x1  }
0xc: {  	s14 =	sshrl.u32 s14, $0x3;
	s7 =	sadd.s32 s7, s6;
	s6 =	sor.u32 $0x1C01, s31  }
0xd: {  	s9 =	sadd.s32 $0x4600, s13;
	s10 =	sadd.s32 $0x4800, s13;
	s11 =	sadd.s32 $0x4A00, s13  }
0xe: {  	s12 =	sadd.s32 $0x4C00, s13;
	s13 =	sadd.s32 $0x4E00, s13;
	s7 =	sadd.s32 $0x1B400, s7  }
.LBB2_1:
0xf: {  	[spmem:s14], [sflag:s6] =	dma.local [hbm:s5], $0x2710  }
0x10: {  	_ =	swait.ge [sflag:s15], $0x2710  }
0x11: {  	[sflag:s15] =	ssyncset.done $0x0  }
0x12: {  	[sflag:s15] =	ssyncadd.s32 $0xFFFFD8F0  }
0x13: {  	[tilespmem:s16], [sflag:$0x1] =	stream.linear.gather [hbm4b:s4+s3], $0x2800, $0x38;
	[tilespmem:$0x17080] =	vst v63  }
0x14: {  	_ =	swait.ge [sflag:s15], $0x2800  }
0x15: {  	[sflag:s15] =	ssyncset.done $0x0  }
0x16: {  	[sflag:s15] =	ssyncadd.s32 $0xFFFFD800  }
0x17: {  	[bflag:$0x0] =	sbarrier.arrive $0xFFFF  }
0x18: {  	[tilespmem:s17], [sflag:$0x1] =	stream.linear.gather [hbm4b:s9+s3], $0xC80, $0x38;
	[tilespmem:$0x17080] =	vst v63  }
0x19: {  	_ =	swait.ge [sflag:s15], $0xC80  }
0x1a: {  	[sflag:s15] =	ssyncset.done $0x0  }
0x1b: {  	s20 =	simm.s32 $0x13880;
	[sflag:s15] =	ssyncadd.s32 $0xFFFFF380  }
0x1c: {  	[spmem:s2] =	stream.indirect.scatter.add.f32 [tilespmem:s16], [sflag:$0x1], $0x80, s20, s18, $0xb8;
	[tilespmem:$0x17080] =	vst v63  }
0x1d: {  	s20 =	simm.s32 $0x200;
	_ =	swait.ge [sflag:s15], $0x2800  }
.LBB2_2:
0x1e: {  	s21 =	sshra.s32 s20, $0x2;
	[sflag:s15] =	ssyncset.done $0x0;
	p0 =	sne.s32 s20, $0x3000  }
.Ltmp0:
0x1f: {  	s21 =	sadd.s32 $0x13880, s21;
	[sflag:s15] =	ssyncadd.s32 $0xFFFFD800;
	(pc) =	sbr.rel @p0 .LBB2_2-.Ltmp0, $3  }
0x20: {  	[spmem:s2] =	stream.indirect.scatter.add.f32 [tilespmem:s16], [sflag:$0x1], $0x80, s21, s18, $0xb8;
	[tilespmem:$0x17080] =	vst v63  }
0x21: {  	s20 =	sadd.s32 $0x200, s20;
	_ =	sdelay $0x1  }
0x22: {  	_ =	swait.ge [sflag:s15], $0x2800  }
0x23: {  	[sflag:s15] =	ssyncset.done $0x0  }
0x24: {  	s20 =	simm.s32 $0x0;
	[sflag:s15] =	ssyncadd.s32 $0xFFFFD800  }
0x25: {  	[tilespmem:s17], [sflag:$0x1] =	stream.linear.gather [hbm4b:s10+s20], $0xC80, $0x38;
	[tilespmem:$0x17080] =	vst v63  }
0x26: {  	_ =	swait.ge [sflag:s15], $0xC80  }
0x27: {  	[sflag:s15] =	ssyncset.done $0x0  }
0x28: {  	s31 =	simm.s32 $0x13880;
	[sflag:s15] =	ssyncadd.s32 $0xFFFFF380  }
0x29: {  	[spmem:s2] =	stream.indirect.scatter.add.f32 [tilespmem:s16], [sflag:$0x1], $0x80, s31, s18, $0xb8;
	[tilespmem:$0x17080] =	vst v63  }
0x2a: {  	s20 =	simm.s32 $0x200;
	_ =	swait.ge [sflag:s15], $0x2800  }
.LBB2_4:
0x2b: {  	s21 =	sshra.s32 s20, $0x2;
	[sflag:s15] =	ssyncset.done $0x0;
	p0 =	sne.s32 s20, $0x3000  }
.Ltmp1:
0x2c: {  	s21 =	sadd.s32 $0x13880, s21;
	[sflag:s15] =	ssyncadd.s32 $0xFFFFD800;
	(pc) =	sbr.rel @p0 .LBB2_4-.Ltmp1, $3  }
0x2d: {  	[spmem:s2] =	stream.indirect.scatter.add.f32 [tilespmem:s16], [sflag:$0x1], $0x80, s21, s18, $0xb8;
	[tilespmem:$0x17080] =	vst v63  }
0x2e: {  	s20 =	sadd.s32 $0x200, s20;
	_ =	sdelay $0x1  }
0x2f: {  	_ =	swait.ge [sflag:s15], $0x2800  }
0x30: {  	[sflag:s15] =	ssyncset.done $0x0  }
0x31: {  	s20 =	simm.s32 $0x0;
	[sflag:s15] =	ssyncadd.s32 $0xFFFFD800  }
0x32: {  	[tilespmem:s17], [sflag:$0x1] =	stream.linear.gather [hbm4b:s11+s20], $0xC80, $0x38;
	[tilespmem:$0x17080] =	vst v63  }
0x33: {  	_ =	swait.ge [sflag:s15], $0xC80  }
0x34: {  	[sflag:s15] =	ssyncset.done $0x0  }
0x35: {  	s31 =	simm.s32 $0x13880;
	[sflag:s15] =	ssyncadd.s32 $0xFFFFF380  }
0x36: {  	[spmem:s2] =	stream.indirect.scatter.add.f32 [tilespmem:s16], [sflag:$0x1], $0x80, s31, s18, $0xb8;
	[tilespmem:$0x17080] =	vst v63  }
0x37: {  	s20 =	simm.s32 $0x200;
	_ =	swait.ge [sflag:s15], $0x2800  }
.LBB2_6:
0x38: {  	s21 =	sshra.s32 s20, $0x2;
	[sflag:s15] =	ssyncset.done $0x0;
	p0 =	sne.s32 s20, $0x3000  }
.Ltmp2:
0x39: {  	s21 =	sadd.s32 $0x13880, s21;
	[sflag:s15] =	ssyncadd.s32 $0xFFFFD800;
	(pc) =	sbr.rel @p0 .LBB2_6-.Ltmp2, $3  }
0x3a: {  	[spmem:s2] =	stream.indirect.scatter.add.f32 [tilespmem:s16], [sflag:$0x1], $0x80, s21, s18, $0xb8;
	[tilespmem:$0x17080] =	vst v63  }
0x3b: {  	s20 =	sadd.s32 $0x200, s20;
	_ =	sdelay $0x1  }
0x3c: {  	_ =	swait.ge [sflag:s15], $0x2800  }
0x3d: {  	[sflag:s15] =	ssyncset.done $0x0  }
0x3e: {  	s20 =	simm.s32 $0x0;
	[sflag:s15] =	ssyncadd.s32 $0xFFFFD800  }
0x3f: {  	[tilespmem:s17], [sflag:$0x1] =	stream.linear.gather [hbm4b:s12+s20], $0xC80, $0x38;
	[tilespmem:$0x17080] =	vst v63  }
0x40: {  	_ =	swait.ge [sflag:s15], $0xC80  }
0x41: {  	[sflag:s15] =	ssyncset.done $0x0  }
0x42: {  	s31 =	simm.s32 $0x13880;
	[sflag:s15] =	ssyncadd.s32 $0xFFFFF380  }
0x43: {  	[spmem:s2] =	stream.indirect.scatter.add.f32 [tilespmem:s16], [sflag:$0x1], $0x80, s31, s18, $0xb8;
	[tilespmem:$0x17080] =	vst v63  }
0x44: {  	s20 =	simm.s32 $0x200;
	_ =	swait.ge [sflag:s15], $0x2800  }
.LBB2_8:
0x45: {  	s21 =	sshra.s32 s20, $0x2;
	[sflag:s15] =	ssyncset.done $0x0;
	p0 =	sne.s32 s20, $0x3000  }
.Ltmp3:
0x46: {  	s21 =	sadd.s32 $0x13880, s21;
	[sflag:s15] =	ssyncadd.s32 $0xFFFFD800;
	(pc) =	sbr.rel @p0 .LBB2_8-.Ltmp3, $3  }
0x47: {  	[spmem:s2] =	stream.indirect.scatter.add.f32 [tilespmem:s16], [sflag:$0x1], $0x80, s21, s18, $0xb8;
	[tilespmem:$0x17080] =	vst v63  }
0x48: {  	s20 =	sadd.s32 $0x200, s20;
	_ =	sdelay $0x1  }
0x49: {  	_ =	swait.ge [sflag:s15], $0x2800  }
0x4a: {  	[sflag:s15] =	ssyncset.done $0x0  }
0x4b: {  	s20 =	simm.s32 $0x0;
	[sflag:s15] =	ssyncadd.s32 $0xFFFFD800  }
0x4c: {  	[tilespmem:s17], [sflag:$0x1] =	stream.linear.gather [hbm4b:s13+s20], $0xC80, $0x38;
	[tilespmem:$0x17080] =	vst v63  }
0x4d: {  	_ =	swait.ge [sflag:s15], $0xC80  }
0x4e: {  	[sflag:s15] =	ssyncset.done $0x0  }
0x4f: {  	s31 =	simm.s32 $0x13880;
	[sflag:s15] =	ssyncadd.s32 $0xFFFFF380  }
0x50: {  	[spmem:s2] =	stream.indirect.scatter.add.f32 [tilespmem:s16], [sflag:$0x1], $0x80, s31, s18, $0xb8;
	[tilespmem:$0x17080] =	vst v63  }
0x51: {  	s20 =	simm.s32 $0x200;
	_ =	swait.ge [sflag:s15], $0x2800  }
.LBB2_10:
0x52: {  	s21 =	sshra.s32 s20, $0x2;
	[sflag:s15] =	ssyncset.done $0x0;
	p0 =	sne.s32 s20, $0x3000  }
.Ltmp4:
0x53: {  	s21 =	sadd.s32 $0x13880, s21;
	[sflag:s15] =	ssyncadd.s32 $0xFFFFD800;
	(pc) =	sbr.rel @p0 .LBB2_10-.Ltmp4, $3  }
0x54: {  	[spmem:s2] =	stream.indirect.scatter.add.f32 [tilespmem:s16], [sflag:$0x1], $0x80, s21, s18, $0xb8;
	[tilespmem:$0x17080] =	vst v63  }
0x55: {  	s20 =	sadd.s32 $0x200, s20;
	_ =	sdelay $0x1  }
0x56: {  	_ =	swait.ge [sflag:s15], $0x2800  }
0x57: {  	[sflag:s15] =	ssyncset.done $0x0;
	s19 =	sadd.s32 $0x1, s19  }
0x58: {  	[sflag:s15] =	ssyncadd.s32 $0xFFFFD800;
	p0 =	sne.s32 s19, s8  }
.Ltmp5:
0x59: {  	[bflag:$0x0] =	sbarrier.arrive $0xFFFF;
	(pc) =	sbr.rel @p0 .LBB2_1-.Ltmp5, $4  }
0x5a: {  	[hbm:s7], [sflag:s6] =	dma.local [spmem:s14], $0x2710  }
0x5b: {  	_ =	swait.ge [sflag:s15], $0x2710  }
0x5c: {  	[sflag:s15] =	ssyncset.done $0x0  }
0x5d: {  	[sflag:s15] =	ssyncadd.s32 $0xFFFFD8F0  }
0x5e: {  	_ =	sfence.sel $0x180000  }
0x5f: {  	[bflag:$0x0] =	sbarrier.arrive $0xFFFF  }
0x60: {  	p0 =	sne.s32 s0, $0x0;
	_ =	strace $0x90000047  }
0x61: {  	s0 =	sadd.s32 @!p0 $0x100000, s1;
	[bflag:$0x2] =	sbarrier.arrive $0xFFFF  }
0x62: {  	[sflag:s0] =	ssyncadd.tile.s32 @!p0 $0x1;
	_ =	shalt  }
.Lfunc_end2:
_tile_overlayer_lowered:
.L_overlay_start_2:
0x63: {  	(tag) =	ssettag $0x2  }
0x64: {  	s0 =	rddreg [dreg:$0x0];
	s2 =	stileid.u32  }
0x65: {  	s1 =	rddreg [dreg:$0x1];
	p0 =	sne.s32 s2, $0x0  }
0x66: {  	s3 =	rddreg [dreg:$0x2];
	[bflag:$0x3] =	sbarrier.arrive $0xFFFF;
	s2 =	simm.s32 @!p0 $0x1C01  }
0x67: {  	[timem:s3], [sflag:s2] =	dma.local @!p0 [hbm:s0], s1  }
0x68: {  	s0 =	simm.s32 @!p0 $0x1  }
0x69: {  	_ =	swait.ge @!p0 [sflag:s0], s1  }
0x6a: {  	s1 =	ssub.s32 @!p0 $0x0, s1;
	[sflag:s0] =	ssyncset.done @!p0 $0x0  }
0x6b: {  	[sflag:s0] =	ssyncadd.s32 @!p0 s1  }
0x6c: {  	[bflag:$0x3] =	sbarrier.arrive $0xFFFF  }
0x6d: {  	_ =	shalt  }

</sc_bundles>
